<compile_context>
chip_gen: v7x
topology: tpu7x:2x2x1
jax: 0.10.2.dev20260603
libtpu: 0.0.44.dev20260713+nightly
codegen_flags: <defaults>
</compile_context>

<pallas_src>
import functools

import jax
import jax.numpy as jnp
from jax import lax
from jax.experimental import pallas as pl
from jax.experimental.pallas import tpu as pltpu
from jax.experimental.pallas import tpu_sc as plsc

N = 10000
E = 160000
D_IN = 256
HID = 512
D_OUT = 256

NC = 2
NS = 16
L = 16

NPAD = 10240
BN2 = NPAD // 8

K = 128
NCHUNK = 80
NBUF = 2
P = 2
CPP = NCHUNK // P
EPT = NCHUNK * K
EPAD = NS * EPT
JUNK = NPAD - 1


def _mesh():
    return plsc.VectorSubcoreMesh(
        core_axis_name="c", subcore_axis_name="s", num_cores=NC, num_subcores=NS
    )


@functools.partial(
    pl.kernel,
    out_type=jax.ShapeDtypeStruct((2, NS, NPAD), jnp.int32),
    mesh=_mesh(),
    scratch_types=[
        pltpu.VMEM((E // NS,), jnp.int32),
        pltpu.VMEM((NPAD,), jnp.int32),
    ],
    compiler_params=pltpu.CompilerParams(needs_layout_passes=False),
)
def _deg_kernel(adj_hbm, parts_hbm, ev, hist):
    c = lax.axis_index("c")
    s = lax.axis_index("s")
    pltpu.sync_copy(adj_hbm.at[c, s], ev)

    zeros = jnp.zeros((L,), jnp.int32)

    def zero_body(i, _):
        hist[pl.ds(pl.multiple_of(i * L, L), L)] = zeros
        return 0

    lax.fori_loop(0, NPAD // L, zero_body, 0)

    ones = jnp.ones((L,), jnp.int32)

    def scat_body(i, _):
        idx = ev[pl.ds(pl.multiple_of(i * L, L), L)]
        plsc.addupdate_scatter(hist, [idx], ones)
        return 0

    lax.fori_loop(0, (E // NS) // L, scat_body, 0)
    pltpu.sync_copy(hist, parts_hbm.at[c, s])


def _mm_body(x_ref, w1_ref, wg_ref, parts_ref, h2_ref, binv_ref):
    deg_s = jnp.sum(parts_ref[0].astype(jnp.float32), axis=0)
    a = lax.rsqrt(jnp.maximum(deg_s, 1.0))
    xs = x_ref[...] * a[:, None]
    h1 = jnp.maximum(jnp.dot(xs, w1_ref[...], preferred_element_type=jnp.float32), 0.0)
    hh = jnp.dot(h1, wg_ref[...], preferred_element_type=jnp.float32)
    h2_ref[0] = hh[:, :128]
    h2_ref[1] = hh[:, 128:]
    deg_d = jnp.sum(parts_ref[1].astype(jnp.float32), axis=0)
    binv_ref[...] = lax.rsqrt(jnp.maximum(deg_d, 1.0))[:, None]


def _matmul_stage(x_pad, W1, Wg, parts):
    return pl.pallas_call(
        _mm_body,
        grid=(NPAD // BN2,),
        in_specs=[
            pl.BlockSpec((BN2, D_IN), lambda i: (i, 0)),
            pl.BlockSpec((D_IN, HID), lambda i: (0, 0)),
            pl.BlockSpec((HID, D_OUT), lambda i: (0, 0)),
            pl.BlockSpec((2, NS, BN2), lambda i: (0, 0, i)),
        ],
        out_specs=[
            pl.BlockSpec((2, BN2, 128), lambda i: (0, i, 0)),
            pl.BlockSpec((BN2, 1), lambda i: (i, 0)),
        ],
        out_shape=[
            jax.ShapeDtypeStruct((2, NPAD, 128), jnp.float32),
            jax.ShapeDtypeStruct((NPAD, 1), jnp.float32),
        ],
    )(x_pad, W1, Wg, parts)


@functools.partial(
    pl.kernel,
    out_type=jax.ShapeDtypeStruct((2, NPAD, 128), jnp.float32),
    mesh=_mesh(),
    scratch_types=[
        pltpu.VMEM((CPP, K), jnp.int32),
        pltpu.VMEM((CPP, K), jnp.int32),
        pltpu.VMEM((NBUF, K, 128), jnp.float32),
        pltpu.VMEM_SHARED((NPAD, 128), jnp.float32),
        pltpu.SemaphoreType.DMA,
        pltpu.SemaphoreType.DMA,
        pltpu.SemaphoreType.DMA,
    ],
    compiler_params=pltpu.CompilerParams(needs_layout_passes=False),
)
def _scatter_kernel(h_hbm, src_hbm, dst_hbm, zeros_hbm, acc_hbm,
                    srcv, dstv, rows, acc, sem0, sem1, zsem):
    c = lax.axis_index("c")
    s = lax.axis_index("s")
    rpt = NPAD // NS
    sems = (sem0, sem1)

    zcp = pltpu.async_copy(zeros_hbm, acc.at[pl.ds(s * rpt, rpt)], zsem)

    off = c * NPAD

    for p in range(P):
        pltpu.sync_copy(src_hbm.at[s, p], srcv)
        pltpu.sync_copy(dst_hbm.at[s, p], dstv)

        def add_body(j, _):
            def inner(k, _):
                sl = pl.ds(pl.multiple_of(k * L, L), L)
                srcv[j, sl] = srcv[j, sl] + off
                return 0
            lax.fori_loop(0, K // L, inner, 0)
            return 0

        lax.fori_loop(0, CPP, add_body, 0)

        if p == 0:
            zcp.wait()
            plsc.subcore_barrier()

        for b in range(NBUF):
            pltpu.async_copy(h_hbm.at[srcv.at[b]], rows.at[b], sems[b])

        def edge_body(i, _):
            for b in range(NBUF):
                j = i * NBUF + b
                pltpu.make_async_copy(
                    h_hbm.at[srcv.at[j]], rows.at[b], sems[b]).wait()
                pltpu.sync_copy(rows.at[b], acc.at[dstv.at[j]], add=True)

                @pl.when(j + NBUF < CPP)
                def _():
                    pltpu.async_copy(h_hbm.at[srcv.at[j + NBUF]], rows.at[b], sems[b])
            return 0

        lax.fori_loop(0, CPP // NBUF, edge_body, 0)

    plsc.subcore_barrier()
    pltpu.sync_copy(acc.at[pl.ds(s * rpt, rpt)], acc_hbm.at[c, pl.ds(s * rpt, rpt)])


def _post_body(acc_ref, b_ref, out_ref):
    out_ref[:, :128] = acc_ref[0] * b_ref[...]
    out_ref[:, 128:] = acc_ref[1] * b_ref[...]


def _post_stage(acc2, binv):
    return pl.pallas_call(
        _post_body,
        grid=(N // 2000,),
        in_specs=[
            pl.BlockSpec((2, 2000, 128), lambda i: (0, i, 0)),
            pl.BlockSpec((2000, 1), lambda i: (i, 0)),
        ],
        out_specs=pl.BlockSpec((2000, D_OUT), lambda i: (i, 0)),
        out_shape=jax.ShapeDtypeStruct((N, D_OUT), jnp.float32),
    )(acc2, binv)


def kernel(x, adj, W1, Wg):
    src = adj[0]
    dst = adj[1]
    adj16 = adj.reshape(2, NS, E // NS)
    dummy = N + jnp.arange(EPAD - E, dtype=jnp.int32) % (NPAD - N)
    src_r = jnp.concatenate([src, dummy]).reshape(NS, P, CPP, K)
    dst_r = jnp.concatenate([dst, dummy]).reshape(NS, P, CPP, K)
    zeros_blk = jnp.zeros((NPAD // NS, 128), jnp.float32)

    parts = _deg_kernel(adj16)
    h2, binv = _matmul_stage(x, W1, Wg, parts)
    h_flat = h2.reshape(2 * NPAD, 128)
    acc2 = _scatter_kernel(h_flat, src_r, dst_r, zeros_blk)
    out = _post_stage(acc2, binv)
    return out

# --- scband reference (transcript-rebuilt; emitter-appended) ---
"""Pipeline reference for scband-fast-gcn-78426102825063 (READ-ONLY COPY).

The authoritative reference and input builder live on the scoring server;
editing this copy changes nothing except your own understanding.
"""

import jax, jax.numpy as jnp
import numpy as np

N = 10000
E = 160000
D_IN = 256
HID = 512
D_OUT = 256


def setup_inputs(seed: int = 0) -> dict:
    key = jax.random.key(seed)
    k1, k2, k3, k4 = jax.random.split(key, 4)
    x = jax.random.normal(k1, (N, D_IN), dtype=jnp.float32)
    # adjacency represented as edge_index [2, E] (row 0 = src, row 1 = dst)
    adj = jax.random.randint(k2, (2, E), 0, N, dtype=jnp.int32)
    # Linear(in_features=256, hid=512, bias=False) weight, stored as [in, out]
    W1 = jax.random.normal(k3, (D_IN, HID), dtype=jnp.float32) / np.sqrt(D_IN)
    # GCNConv(512 -> 256, bias=False) weight
    Wg = jax.random.normal(k4, (HID, D_OUT), dtype=jnp.float32) / np.sqrt(HID)
    return {"x": x, "adj": adj, "W1": W1, "Wg": Wg}


def reference(x, adj, W1, Wg):
    # Sequential: Linear -> ReLU -> Dropout(eval: identity) -> GCNConv
    h = jax.nn.relu(x @ W1)
    # dropout is identity in eval mode
    # GCNConv: linear transform then symmetric-normalized aggregation
    h = h @ Wg
    src = adj[0]
    dst = adj[1]
    deg_src = jnp.bincount(src, length=N).astype(jnp.float32)
    deg_dst = jnp.bincount(dst, length=N).astype(jnp.float32)
    norm = jax.lax.rsqrt(jnp.clip(deg_src, 1.0, None))[src] * jax.lax.rsqrt(jnp.clip(deg_dst, 1.0, None))[dst]
    msgs = h[src] * norm[:, None]
    out = jax.ops.segment_sum(msgs, dst, num_segments=N)
    return out

if __name__ == "__main__":
    import jax
    _d = setup_inputs()
    print(jax.jit(kernel)(*tuple(_d.values())))

</pallas_src>

<mosaic_0001>
#map = affine_map<(d0, d1) -> (0, 0, 0)>
module attributes {stable_mosaic.version = 14 : i64} {
  func.func @_deg_kernel(%arg0: i32, %arg1: i32, %arg2: memref<2x16x10000xi32, #tpu.memory_space<hbm>>, %arg3: memref<2x16x10240xi32, #tpu.memory_space<hbm>>, %arg4: memref<10000xi32, #tpu.memory_space<vmem>>, %arg5: memref<10240xi32, #tpu.memory_space<vmem>>) attributes {dimension_semantics = [#tpu.dimension_semantics<core_parallel>, #tpu.dimension_semantics<subcore_parallel>], iteration_bounds = array<i64: 2, 16>, scalar_prefetch = 0 : i64, scratch_operands = 2 : i64, tpu.core_type = #tpu.core_type<sc_vector_subcore>, window_params = [{transform_indices = #map}, {transform_indices = #map}]} {
    "tpu.region"() ({
      %run_scoped3A = tpu.sem_alloc : memref<!tpu.dma_semaphore, #tpu.memory_space<semaphore_mem>>
      %dma_start3A = arith.constant 0 : i32
      %dma_start3A_16 = tpu.memref_slice %arg2[%arg0, %arg1, %dma_start3A] : memref<2x16x10000xi32, #tpu.memory_space<hbm>> -> memref<1x1x10000xi32, #tpu.memory_space<hbm>>
      %dma_start3A_17 = tpu.memref_squeeze %dma_start3A_16 : memref<1x1x10000xi32, #tpu.memory_space<hbm>> -> memref<10000xi32, #tpu.memory_space<hbm>>
      %dma_start3A_18 = arith.constant 0 : i32
      %dma_start3A_19 = tpu.memref_slice %arg2[%arg0, %arg1, %dma_start3A_18] : memref<2x16x10000xi32, #tpu.memory_space<hbm>> -> memref<1x1x10000xi32, #tpu.memory_space<hbm>>
      %dma_start3A_20 = tpu.memref_squeeze %dma_start3A_19 : memref<1x1x10000xi32, #tpu.memory_space<hbm>> -> memref<10000xi32, #tpu.memory_space<hbm>>
      tpu.enqueue_dma source(%dma_start3A_20 : memref<10000xi32, #tpu.memory_space<hbm>>) target(%arg4 : memref<10000xi32, #tpu.memory_space<vmem>>) target_semaphore(%run_scoped3A : memref<!tpu.dma_semaphore, #tpu.memory_space<semaphore_mem>>)
      %dma_wait3A = arith.constant 0 : i32
      %dma_wait3A_21 = tpu.memref_slice %arg2[%arg0, %arg1, %dma_wait3A] : memref<2x16x10000xi32, #tpu.memory_space<hbm>> -> memref<1x1x10000xi32, #tpu.memory_space<hbm>>
      %dma_wait3A_22 = tpu.memref_squeeze %dma_wait3A_21 : memref<1x1x10000xi32, #tpu.memory_space<hbm>> -> memref<10000xi32, #tpu.memory_space<hbm>>
      %dma_wait3A_23 = arith.constant 0 : i32
      %dma_wait3A_24 = tpu.memref_slice %arg2[%arg0, %arg1, %dma_wait3A_23] : memref<2x16x10000xi32, #tpu.memory_space<hbm>> -> memref<1x1x10000xi32, #tpu.memory_space<hbm>>
      %dma_wait3A_25 = tpu.memref_squeeze %dma_wait3A_24 : memref<1x1x10000xi32, #tpu.memory_space<hbm>> -> memref<10000xi32, #tpu.memory_space<hbm>>
      tpu.wait_dma2 semaphore(%run_scoped3A : memref<!tpu.dma_semaphore, #tpu.memory_space<semaphore_mem>>) src(%dma_wait3A_25 : memref<10000xi32, #tpu.memory_space<hbm>>) dst(%arg4 : memref<10000xi32, #tpu.memory_space<vmem>>)
      tpu.yield
    }) : () -> ()
    %broadcast_in_dim3A = arith.constant 0 : i32
    %broadcast_in_dim3A_0 = vector.broadcast %broadcast_in_dim3A : i32 to vector<16xi32>
    %scan3A = arith.constant 0 : i32
    %scan3A_1 = arith.constant 0 : i32
    %scan3A_2 = arith.constant 640 : i32
    %scan3A_3 = arith.addi %scan3A_1, %scan3A_2 : i32
    %scan3A_4 = arith.constant 1 : i32
    %scan3A_5 = scf.for %scan3A_16 = %scan3A_1 to %scan3A_3 step %scan3A_4 iter_args(%scan3A_17 = %scan3A) -> (i32)  : i32 {
      %mul3A = arith.constant 16 : i32
      %mul3A_18 = arith.muli %scan3A_16, %mul3A : i32
      %multiple_of3A = tpu.assume_multiple %mul3A_18, 16 : i32
      %swap3A = arith.index_cast %multiple_of3A : i32 to index
      %swap3A_19 = tpu.vector_load %arg5[%swap3A] {strides = array<i32>} : memref<10240xi32, #tpu.memory_space<vmem>>, vector<16xi32>,
      tpu.vector_store %arg5[%swap3A], %broadcast_in_dim3A_0 {strides = array<i32>} : memref<10240xi32, #tpu.memory_space<vmem>>, vector<16xi32>,
      %scan3A_20 = arith.constant 0 : i32
      scf.yield %scan3A_20 : i32
    }
    %scan3A_6 = arith.constant 640 : i32
    %broadcast_in_dim3A_7 = arith.constant 1 : i32
    %broadcast_in_dim3A_8 = vector.broadcast %broadcast_in_dim3A_7 : i32 to vector<16xi32>
    %scan3A_9 = arith.constant 0 : i32
    %scan3A_10 = arith.constant 0 : i32
    %scan3A_11 = arith.constant 625 : i32
    %scan3A_12 = arith.addi %scan3A_10, %scan3A_11 : i32
    %scan3A_13 = arith.constant 1 : i32
    %scan3A_14 = scf.for %scan3A_16 = %scan3A_10 to %scan3A_12 step %scan3A_13 iter_args(%scan3A_17 = %scan3A_9) -> (i32)  : i32 {
      %mul3A = arith.constant 16 : i32
      %mul3A_18 = arith.muli %scan3A_16, %mul3A : i32
      %multiple_of3A = tpu.assume_multiple %mul3A_18, 16 : i32
      %get3A = arith.index_cast %multiple_of3A : i32 to index
      %get3A_19 = tpu.vector_load %arg4[%get3A] {strides = array<i32>} : memref<10000xi32, #tpu.memory_space<vmem>>, vector<16xi32>,
      tpu.vector_store_idx %arg5[%get3A_19], %broadcast_in_dim3A_8 {add = true} : memref<10240xi32, #tpu.memory_space<vmem>>[vector<16xi32>], vector<16xi32>,
      %scan3A_20 = arith.constant 0 : i32
      scf.yield %scan3A_20 : i32
    }
    %scan3A_15 = arith.constant 625 : i32
    "tpu.region"() ({
      %run_scoped3A = tpu.sem_alloc : memref<!tpu.dma_semaphore, #tpu.memory_space<semaphore_mem>>
      %dma_start3A = arith.constant 0 : i32
      %dma_start3A_16 = tpu.memref_slice %arg3[%arg0, %arg1, %dma_start3A] : memref<2x16x10240xi32, #tpu.memory_space<hbm>> -> memref<1x1x10240xi32, #tpu.memory_space<hbm>>
      %dma_start3A_17 = tpu.memref_squeeze %dma_start3A_16 : memref<1x1x10240xi32, #tpu.memory_space<hbm>> -> memref<10240xi32, #tpu.memory_space<hbm>>
      %dma_start3A_18 = arith.constant 0 : i32
      %dma_start3A_19 = tpu.memref_slice %arg3[%arg0, %arg1, %dma_start3A_18] : memref<2x16x10240xi32, #tpu.memory_space<hbm>> -> memref<1x1x10240xi32, #tpu.memory_space<hbm>>
      %dma_start3A_20 = tpu.memref_squeeze %dma_start3A_19 : memref<1x1x10240xi32, #tpu.memory_space<hbm>> -> memref<10240xi32, #tpu.memory_space<hbm>>
      tpu.enqueue_dma source(%arg5 : memref<10240xi32, #tpu.memory_space<vmem>>) target(%dma_start3A_20 : memref<10240xi32, #tpu.memory_space<hbm>>) target_semaphore(%run_scoped3A : memref<!tpu.dma_semaphore, #tpu.memory_space<semaphore_mem>>)
      %dma_wait3A = arith.constant 0 : i32
      %dma_wait3A_21 = tpu.memref_slice %arg3[%arg0, %arg1, %dma_wait3A] : memref<2x16x10240xi32, #tpu.memory_space<hbm>> -> memref<1x1x10240xi32, #tpu.memory_space<hbm>>
      %dma_wait3A_22 = tpu.memref_squeeze %dma_wait3A_21 : memref<1x1x10240xi32, #tpu.memory_space<hbm>> -> memref<10240xi32, #tpu.memory_space<hbm>>
      %dma_wait3A_23 = arith.constant 0 : i32
      %dma_wait3A_24 = tpu.memref_slice %arg3[%arg0, %arg1, %dma_wait3A_23] : memref<2x16x10240xi32, #tpu.memory_space<hbm>> -> memref<1x1x10240xi32, #tpu.memory_space<hbm>>
      %dma_wait3A_25 = tpu.memref_squeeze %dma_wait3A_24 : memref<1x1x10240xi32, #tpu.memory_space<hbm>> -> memref<10240xi32, #tpu.memory_space<hbm>>
      tpu.wait_dma2 semaphore(%run_scoped3A : memref<!tpu.dma_semaphore, #tpu.memory_space<semaphore_mem>>) src(%arg5 : memref<10240xi32, #tpu.memory_space<vmem>>) dst(%dma_wait3A_25 : memref<10240xi32, #tpu.memory_space<hbm>>)
      tpu.yield
    }) : () -> ()
    return
  }
}

#map = affine_map<(d0, d1) -> (0, 0)>
#map1 = affine_map<(d0, d1) -> (0, 0, 0, 0)>
#map2 = affine_map<(d0, d1) -> (0, 0, 0)>
module attributes {stable_mosaic.version = 14 : i64} {
  func.func @_scatter_kernel(%arg0: i32, %arg1: i32, %arg2: memref<20480x128xf32, #tpu.memory_space<hbm>>, %arg3: memref<16x2x40x128xi32, #tpu.memory_space<hbm>>, %arg4: memref<16x2x40x128xi32, #tpu.memory_space<hbm>>, %arg5: memref<640x128xf32, #tpu.memory_space<hbm>>, %arg6: memref<2x10240x128xf32, #tpu.memory_space<hbm>>, %arg7: memref<40x128xi32, #tpu.memory_space<vmem>>, %arg8: memref<40x128xi32, #tpu.memory_space<vmem>>, %arg9: memref<2x128x128xf32, #tpu.memory_space<vmem>>, %arg10: memref<10240x128xf32, #tpu.memory_space<vmem_shared>>, %arg11: memref<!tpu.dma_semaphore, #tpu.memory_space<semaphore_mem>>, %arg12: memref<!tpu.dma_semaphore, #tpu.memory_space<semaphore_mem>>, %arg13: memref<!tpu.dma_semaphore, #tpu.memory_space<semaphore_mem>>) attributes {dimension_semantics = [#tpu.dimension_semantics<core_parallel>, #tpu.dimension_semantics<subcore_parallel>], iteration_bounds = array<i64: 2, 16>, scalar_prefetch = 0 : i64, scratch_operands = 7 : i64, tpu.core_type = #tpu.core_type<sc_vector_subcore>, window_params = [{transform_indices = #map}, {transform_indices = #map1}, {transform_indices = #map1}, {transform_indices = #map}, {transform_indices = #map2}]} {
    %mul3A = arith.constant 640 : i32
    %mul3A_0 = arith.muli %arg1, %mul3A : i32
    %dma_start3A = arith.constant 0 : i32
    %dma_start3A_1 = tpu.memref_slice %arg10[%mul3A_0, %dma_start3A] : memref<10240x128xf32, #tpu.memory_space<vmem_shared>> -> memref<640x128xf32, #tpu.memory_space<vmem_shared>>
    tpu.enqueue_dma source(%arg5 : memref<640x128xf32, #tpu.memory_space<hbm>>) target(%dma_start3A_1 : memref<640x128xf32, #tpu.memory_space<vmem_shared>>) target_semaphore(%arg13 : memref<!tpu.dma_semaphore, #tpu.memory_space<semaphore_mem>>)
    %mul3A_2 = arith.constant 10240 : i32
    %mul3A_3 = arith.muli %arg0, %mul3A_2 : i32
    %run_scoped3A = arith.constant 0 : i32
    "tpu.region"() ({
      %run_scoped3A_88 = tpu.sem_alloc : memref<!tpu.dma_semaphore, #tpu.memory_space<semaphore_mem>>
      %dma_start3A_89 = arith.constant 0 : i32
      %dma_start3A_90 = arith.constant 0 : i32
      %dma_start3A_91 = tpu.memref_slice %arg3[%arg1, %run_scoped3A, %dma_start3A_89, %dma_start3A_90] : memref<16x2x40x128xi32, #tpu.memory_space<hbm>> -> memref<1x1x40x128xi32, #tpu.memory_space<hbm>>
      %dma_start3A_92 = tpu.memref_squeeze %dma_start3A_91 : memref<1x1x40x128xi32, #tpu.memory_space<hbm>> -> memref<40x128xi32, #tpu.memory_space<hbm>>
      %dma_start3A_93 = arith.constant 0 : i32
      %dma_start3A_94 = arith.constant 0 : i32
      %dma_start3A_95 = tpu.memref_slice %arg3[%arg1, %run_scoped3A, %dma_start3A_93, %dma_start3A_94] : memref<16x2x40x128xi32, #tpu.memory_space<hbm>> -> memref<1x1x40x128xi32, #tpu.memory_space<hbm>>
      %dma_start3A_96 = tpu.memref_squeeze %dma_start3A_95 : memref<1x1x40x128xi32, #tpu.memory_space<hbm>> -> memref<40x128xi32, #tpu.memory_space<hbm>>
      tpu.enqueue_dma source(%dma_start3A_96 : memref<40x128xi32, #tpu.memory_space<hbm>>) target(%arg7 : memref<40x128xi32, #tpu.memory_space<vmem>>) target_semaphore(%run_scoped3A_88 : memref<!tpu.dma_semaphore, #tpu.memory_space<semaphore_mem>>)
      %dma_wait3A_97 = arith.constant 0 : i32
      %dma_wait3A_98 = arith.constant 0 : i32
      %dma_wait3A_99 = tpu.memref_slice %arg3[%arg1, %run_scoped3A, %dma_wait3A_97, %dma_wait3A_98] : memref<16x2x40x128xi32, #tpu.memory_space<hbm>> -> memref<1x1x40x128xi32, #tpu.memory_space<hbm>>
      %dma_wait3A_100 = tpu.memref_squeeze %dma_wait3A_99 : memref<1x1x40x128xi32, #tpu.memory_space<hbm>> -> memref<40x128xi32, #tpu.memory_space<hbm>>
      %dma_wait3A_101 = arith.constant 0 : i32
      %dma_wait3A_102 = arith.constant 0 : i32
      %dma_wait3A_103 = tpu.memref_slice %arg3[%arg1, %run_scoped3A, %dma_wait3A_101, %dma_wait3A_102] : memref<16x2x40x128xi32, #tpu.memory_space<hbm>> -> memref<1x1x40x128xi32, #tpu.memory_space<hbm>>
      %dma_wait3A_104 = tpu.memref_squeeze %dma_wait3A_103 : memref<1x1x40x128xi32, #tpu.memory_space<hbm>> -> memref<40x128xi32, #tpu.memory_space<hbm>>
      tpu.wait_dma2 semaphore(%run_scoped3A_88 : memref<!tpu.dma_semaphore, #tpu.memory_space<semaphore_mem>>) src(%dma_wait3A_104 : memref<40x128xi32, #tpu.memory_space<hbm>>) dst(%arg7 : memref<40x128xi32, #tpu.memory_space<vmem>>)
      tpu.yield
    }) : () -> ()
    %run_scoped3A_4 = arith.constant 0 : i32
    "tpu.region"() ({
      %run_scoped3A_88 = tpu.sem_alloc : memref<!tpu.dma_semaphore, #tpu.memory_space<semaphore_mem>>
      %dma_start3A_89 = arith.constant 0 : i32
      %dma_start3A_90 = arith.constant 0 : i32
      %dma_start3A_91 = tpu.memref_slice %arg4[%arg1, %run_scoped3A_4, %dma_start3A_89, %dma_start3A_90] : memref<16x2x40x128xi32, #tpu.memory_space<hbm>> -> memref<1x1x40x128xi32, #tpu.memory_space<hbm>>
      %dma_start3A_92 = tpu.memref_squeeze %dma_start3A_91 : memref<1x1x40x128xi32, #tpu.memory_space<hbm>> -> memref<40x128xi32, #tpu.memory_space<hbm>>
      %dma_start3A_93 = arith.constant 0 : i32
      %dma_start3A_94 = arith.constant 0 : i32
      %dma_start3A_95 = tpu.memref_slice %arg4[%arg1, %run_scoped3A_4, %dma_start3A_93, %dma_start3A_94] : memref<16x2x40x128xi32, #tpu.memory_space<hbm>> -> memref<1x1x40x128xi32, #tpu.memory_space<hbm>>
      %dma_start3A_96 = tpu.memref_squeeze %dma_start3A_95 : memref<1x1x40x128xi32, #tpu.memory_space<hbm>> -> memref<40x128xi32, #tpu.memory_space<hbm>>
      tpu.enqueue_dma source(%dma_start3A_96 : memref<40x128xi32, #tpu.memory_space<hbm>>) target(%arg8 : memref<40x128xi32, #tpu.memory_space<vmem>>) target_semaphore(%run_scoped3A_88 : memref<!tpu.dma_semaphore, #tpu.memory_space<semaphore_mem>>)
      %dma_wait3A_97 = arith.constant 0 : i32
      %dma_wait3A_98 = arith.constant 0 : i32
      %dma_wait3A_99 = tpu.memref_slice %arg4[%arg1, %run_scoped3A_4, %dma_wait3A_97, %dma_wait3A_98] : memref<16x2x40x128xi32, #tpu.memory_space<hbm>> -> memref<1x1x40x128xi32, #tpu.memory_space<hbm>>
      %dma_wait3A_100 = tpu.memref_squeeze %dma_wait3A_99 : memref<1x1x40x128xi32, #tpu.memory_space<hbm>> -> memref<40x128xi32, #tpu.memory_space<hbm>>
      %dma_wait3A_101 = arith.constant 0 : i32
      %dma_wait3A_102 = arith.constant 0 : i32
      %dma_wait3A_103 = tpu.memref_slice %arg4[%arg1, %run_scoped3A_4, %dma_wait3A_101, %dma_wait3A_102] : memref<16x2x40x128xi32, #tpu.memory_space<hbm>> -> memref<1x1x40x128xi32, #tpu.memory_space<hbm>>
      %dma_wait3A_104 = tpu.memref_squeeze %dma_wait3A_103 : memref<1x1x40x128xi32, #tpu.memory_space<hbm>> -> memref<40x128xi32, #tpu.memory_space<hbm>>
      tpu.wait_dma2 semaphore(%run_scoped3A_88 : memref<!tpu.dma_semaphore, #tpu.memory_space<semaphore_mem>>) src(%dma_wait3A_104 : memref<40x128xi32, #tpu.memory_space<hbm>>) dst(%arg8 : memref<40x128xi32, #tpu.memory_space<vmem>>)
      tpu.yield
    }) : () -> ()
    %scan3A = arith.constant 0 : i32
    %scan3A_5 = arith.constant 0 : i32
    %scan3A_6 = arith.constant 40 : i32
    %scan3A_7 = arith.addi %scan3A_5, %scan3A_6 : i32
    %scan3A_8 = arith.constant 1 : i32
    %scan3A_9 = scf.for %scan3A_88 = %scan3A_5 to %scan3A_7 step %scan3A_8 iter_args(%scan3A_89 = %scan3A) -> (i32)  : i32 {
      %scan3A_90 = arith.constant 0 : i32
      %scan3A_91 = arith.constant 0 : i32
      %scan3A_92 = arith.constant 8 : i32
      %scan3A_93 = arith.addi %scan3A_91, %scan3A_92 : i32
      %scan3A_94 = arith.constant 1 : i32
      %scan3A_95 = scf.for %scan3A_98 = %scan3A_91 to %scan3A_93 step %scan3A_94 iter_args(%scan3A_99 = %scan3A_90) -> (i32)  : i32 {
        %mul3A_100 = arith.constant 16 : i32
        %mul3A_101 = arith.muli %scan3A_98, %mul3A_100 : i32
        %multiple_of3A = tpu.assume_multiple %mul3A_101, 16 : i32
        %get3A = arith.index_cast %scan3A_88 : i32 to index
        %get3A_102 = arith.index_cast %multiple_of3A : i32 to index
        %get3A_103 = tpu.vector_load %arg7[%get3A, %get3A_102] {strides = array<i32>} : memref<40x128xi32, #tpu.memory_space<vmem>>, vector<16xi32>,
        %add3A = vector.broadcast %mul3A_3 : i32 to vector<16xi32>
        %add3A_104 = arith.addi %get3A_103, %add3A : vector<16xi32>
        %swap3A = arith.index_cast %scan3A_88 : i32 to index
        %swap3A_105 = arith.index_cast %multiple_of3A : i32 to index
        %swap3A_106 = tpu.vector_load %arg7[%swap3A, %swap3A_105] {strides = array<i32>} : memref<40x128xi32, #tpu.memory_space<vmem>>, vector<16xi32>,
        tpu.vector_store %arg7[%swap3A, %swap3A_105], %add3A_104 {strides = array<i32>} : memref<40x128xi32, #tpu.memory_space<vmem>>, vector<16xi32>,
        %scan3A_107 = arith.constant 0 : i32
        scf.yield %scan3A_107 : i32
      }
      %scan3A_96 = arith.constant 8 : i32
      %scan3A_97 = arith.constant 0 : i32
      scf.yield %scan3A_97 : i32
    }
    %scan3A_10 = arith.constant 40 : i32
    %dma_wait3A = arith.constant 0 : i32
    %dma_wait3A_11 = tpu.memref_slice %arg10[%mul3A_0, %dma_wait3A] : memref<10240x128xf32, #tpu.memory_space<vmem_shared>> -> memref<640x128xf32, #tpu.memory_space<vmem_shared>>
    tpu.wait_dma2 semaphore(%arg13 : memref<!tpu.dma_semaphore, #tpu.memory_space<semaphore_mem>>) src(%arg5 : memref<640x128xf32, #tpu.memory_space<hbm>>) dst(%dma_wait3A_11 : memref<640x128xf32, #tpu.memory_space<vmem_shared>>)
    %barrier3A = arith.constant 0 : index
    tpu.barrier barrier_id(%barrier3A)
    %dma_start3A_12 = arith.constant 0 : i32
    %dma_start3A_13 = arith.constant 0 : i32
    %dma_start3A_14 = arith.constant 0 : i32
    %dma_start3A_15 = arith.constant 0 : i32
    %dma_start3A_16 = tpu.memref_slice %arg9[%dma_start3A_13, %dma_start3A_14, %dma_start3A_15] : memref<2x128x128xf32, #tpu.memory_space<vmem>> -> memref<1x128x128xf32, #tpu.memory_space<vmem>>
    %dma_start3A_17 = tpu.memref_squeeze %dma_start3A_16 : memref<1x128x128xf32, #tpu.memory_space<vmem>> -> memref<128x128xf32, #tpu.memory_space<vmem>>
    %dma_start3A_18 = arith.constant 0 : i32
    %dma_start3A_19 = tpu.memref_slice %arg7[%dma_start3A_12, %dma_start3A_18] : memref<40x128xi32, #tpu.memory_space<vmem>> -> memref<1x128xi32, #tpu.memory_space<vmem>>
    %dma_start3A_20 = tpu.memref_squeeze %dma_start3A_19 : memref<1x128xi32, #tpu.memory_space<vmem>> -> memref<128xi32, #tpu.memory_space<vmem>>
    %dma_start3A_21 = arith.constant 0 : i32
    %dma_start3A_22 = arith.constant 0 : i32
    %dma_start3A_23 = tpu.memref_slice %arg2[%dma_start3A_21, %dma_start3A_22] : memref<20480x128xf32, #tpu.memory_space<hbm>> -> memref<20480x128xf32, #tpu.memory_space<hbm>>
    tpu.enqueue_indirect_dma source(%dma_start3A_23 : memref<20480x128xf32, #tpu.memory_space<hbm>>) target(%dma_start3A_17 : memref<128x128xf32, #tpu.memory_space<vmem>>) offsets(%dma_start3A_20 : memref<128xi32, #tpu.memory_space<vmem>>) semaphore(%arg11 : memref<!tpu.dma_semaphore, #tpu.memory_space<semaphore_mem>>)
    %dma_start3A_24 = arith.constant 1 : i32
    %dma_start3A_25 = arith.constant 1 : i32
    %dma_start3A_26 = arith.constant 0 : i32
    %dma_start3A_27 = arith.constant 0 : i32
    %dma_start3A_28 = tpu.memref_slice %arg9[%dma_start3A_25, %dma_start3A_26, %dma_start3A_27] : memref<2x128x128xf32, #tpu.memory_space<vmem>> -> memref<1x128x128xf32, #tpu.memory_space<vmem>>
    %dma_start3A_29 = tpu.memref_squeeze %dma_start3A_28 : memref<1x128x128xf32, #tpu.memory_space<vmem>> -> memref<128x128xf32, #tpu.memory_space<vmem>>
    %dma_start3A_30 = arith.constant 0 : i32
    %dma_start3A_31 = tpu.memref_slice %arg7[%dma_start3A_24, %dma_start3A_30] : memref<40x128xi32, #tpu.memory_space<vmem>> -> memref<1x128xi32, #tpu.memory_space<vmem>>
    %dma_start3A_32 = tpu.memref_squeeze %dma_start3A_31 : memref<1x128xi32, #tpu.memory_space<vmem>> -> memref<128xi32, #tpu.memory_space<vmem>>
    %dma_start3A_33 = arith.constant 0 : i32
    %dma_start3A_34 = arith.constant 0 : i32
    %dma_start3A_35 = tpu.memref_slice %arg2[%dma_start3A_33, %dma_start3A_34] : memref<20480x128xf32, #tpu.memory_space<hbm>> -> memref<20480x128xf32, #tpu.memory_space<hbm>>
    tpu.enqueue_indirect_dma source(%dma_start3A_35 : memref<20480x128xf32, #tpu.memory_space<hbm>>) target(%dma_start3A_29 : memref<128x128xf32, #tpu.memory_space<vmem>>) offsets(%dma_start3A_32 : memref<128xi32, #tpu.memory_space<vmem>>) semaphore(%arg12 : memref<!tpu.dma_semaphore, #tpu.memory_space<semaphore_mem>>)
    %scan3A_36 = arith.constant 0 : i32
    %scan3A_37 = arith.constant 0 : i32
    %scan3A_38 = arith.constant 20 : i32
    %scan3A_39 = arith.addi %scan3A_37, %scan3A_38 : i32
    %scan3A_40 = arith.constant 1 : i32
    %scan3A_41 = scf.for %scan3A_88 = %scan3A_37 to %scan3A_39 step %scan3A_40 iter_args(%scan3A_89 = %scan3A_36) -> (i32)  : i32 {
      %mul3A_90 = arith.constant 2 : i32
      %mul3A_91 = arith.muli %scan3A_88, %mul3A_90 : i32
      %add3A = arith.constant 0 : i32
      %add3A_92 = arith.addi %mul3A_91, %add3A : i32
      %dma_wait3A_93 = arith.constant 0 : i32
      %dma_wait3A_94 = arith.constant 0 : i32
      %dma_wait3A_95 = arith.constant 0 : i32
      %dma_wait3A_96 = tpu.memref_slice %arg9[%dma_wait3A_93, %dma_wait3A_94, %dma_wait3A_95] : memref<2x128x128xf32, #tpu.memory_space<vmem>> -> memref<1x128x128xf32, #tpu.memory_space<vmem>>
      %dma_wait3A_97 = tpu.memref_squeeze %dma_wait3A_96 : memref<1x128x128xf32, #tpu.memory_space<vmem>> -> memref<128x128xf32, #tpu.memory_space<vmem>>
      %dma_wait3A_98 = arith.constant 0 : i32
      %dma_wait3A_99 = tpu.memref_slice %arg7[%add3A_92, %dma_wait3A_98] : memref<40x128xi32, #tpu.memory_space<vmem>> -> memref<1x128xi32, #tpu.memory_space<vmem>>
      %dma_wait3A_100 = tpu.memref_squeeze %dma_wait3A_99 : memref<1x128xi32, #tpu.memory_space<vmem>> -> memref<128xi32, #tpu.memory_space<vmem>>
      %dma_wait3A_101 = arith.constant 0 : i32
      %dma_wait3A_102 = arith.constant 0 : i32
      %dma_wait3A_103 = tpu.memref_slice %arg2[%dma_wait3A_101, %dma_wait3A_102] : memref<20480x128xf32, #tpu.memory_space<hbm>> -> memref<20480x128xf32, #tpu.memory_space<hbm>>
      tpu.wait_indirect_dma semaphore(%arg11 : memref<!tpu.dma_semaphore, #tpu.memory_space<semaphore_mem>>) src(%dma_wait3A_103 : memref<20480x128xf32, #tpu.memory_space<hbm>>) dst(%dma_wait3A_97 : memref<128x128xf32, #tpu.memory_space<vmem>>)
      %run_scoped3A_104 = arith.constant 0 : i32
      "tpu.region"() ({
        %run_scoped3A_133 = tpu.sem_alloc : memref<!tpu.dma_semaphore, #tpu.memory_space<semaphore_mem>>
        %dma_start3A_134 = arith.constant 0 : i32
        %dma_start3A_135 = arith.constant 0 : i32
        %dma_start3A_136 = tpu.memref_slice %arg9[%run_scoped3A_104, %dma_start3A_134, %dma_start3A_135] : memref<2x128x128xf32, #tpu.memory_space<vmem>> -> memref<1x128x128xf32, #tpu.memory_space<vmem>>
        %dma_start3A_137 = tpu.memref_squeeze %dma_start3A_136 : memref<1x128x128xf32, #tpu.memory_space<vmem>> -> memref<128x128xf32, #tpu.memory_space<vmem>>
        %dma_start3A_138 = arith.constant 0 : i32
        %dma_start3A_139 = tpu.memref_slice %arg8[%add3A_92, %dma_start3A_138] : memref<40x128xi32, #tpu.memory_space<vmem>> -> memref<1x128xi32, #tpu.memory_space<vmem>>
        %dma_start3A_140 = tpu.memref_squeeze %dma_start3A_139 : memref<1x128xi32, #tpu.memory_space<vmem>> -> memref<128xi32, #tpu.memory_space<vmem>>
        %dma_start3A_141 = arith.constant 0 : i32
        %dma_start3A_142 = arith.constant 0 : i32
        %dma_start3A_143 = tpu.memref_slice %arg10[%dma_start3A_141, %dma_start3A_142] : memref<10240x128xf32, #tpu.memory_space<vmem_shared>> -> memref<10240x128xf32, #tpu.memory_space<vmem_shared>>
        tpu.enqueue_indirect_dma source(%dma_start3A_137 : memref<128x128xf32, #tpu.memory_space<vmem>>) target(%dma_start3A_143 : memref<10240x128xf32, #tpu.memory_space<vmem_shared>>) offsets(%dma_start3A_140 : memref<128xi32, #tpu.memory_space<vmem>>) semaphore(%run_scoped3A_133 : memref<!tpu.dma_semaphore, #tpu.memory_space<semaphore_mem>>) {add = true}
        %dma_wait3A_144 = arith.constant 0 : i32
        %dma_wait3A_145 = arith.constant 0 : i32
        %dma_wait3A_146 = tpu.memref_slice %arg9[%run_scoped3A_104, %dma_wait3A_144, %dma_wait3A_145] : memref<2x128x128xf32, #tpu.memory_space<vmem>> -> memref<1x128x128xf32, #tpu.memory_space<vmem>>
        %dma_wait3A_147 = tpu.memref_squeeze %dma_wait3A_146 : memref<1x128x128xf32, #tpu.memory_space<vmem>> -> memref<128x128xf32, #tpu.memory_space<vmem>>
        %dma_wait3A_148 = arith.constant 0 : i32
        %dma_wait3A_149 = tpu.memref_slice %arg8[%add3A_92, %dma_wait3A_148] : memref<40x128xi32, #tpu.memory_space<vmem>> -> memref<1x128xi32, #tpu.memory_space<vmem>>
        %dma_wait3A_150 = tpu.memref_squeeze %dma_wait3A_149 : memref<1x128xi32, #tpu.memory_space<vmem>> -> memref<128xi32, #tpu.memory_space<vmem>>
        %dma_wait3A_151 = arith.constant 0 : i32
        %dma_wait3A_152 = arith.constant 0 : i32
        %dma_wait3A_153 = tpu.memref_slice %arg10[%dma_wait3A_151, %dma_wait3A_152] : memref<10240x128xf32, #tpu.memory_space<vmem_shared>> -> memref<10240x128xf32, #tpu.memory_space<vmem_shared>>
        tpu.wait_indirect_dma semaphore(%run_scoped3A_133 : memref<!tpu.dma_semaphore, #tpu.memory_space<semaphore_mem>>) src(%dma_wait3A_147 : memref<128x128xf32, #tpu.memory_space<vmem>>) dst(%dma_wait3A_153 : memref<10240x128xf32, #tpu.memory_space<vmem_shared>>)
        tpu.yield
      }) : () -> ()
      %add3A_105 = arith.constant 2 : i32
      %add3A_106 = arith.addi %add3A_92, %add3A_105 : i32
      %lt3A = arith.constant 40 : i32
      %lt3A_107 = arith.cmpi slt, %add3A_106, %lt3A : i32
      %convert_element_type3A = arith.extui %lt3A_107 : i1 to i32
      %cond3A = arith.constant 0 : i32
      %cond3A_108 = arith.cmpi ne, %convert_element_type3A, %cond3A : i32
      scf.if %cond3A_108 {
        %add3A_133 = arith.constant 2 : i32
        %add3A_134 = arith.addi %add3A_92, %add3A_133 : i32
        %dma_start3A_135 = arith.constant 0 : i32
        %dma_start3A_136 = arith.constant 0 : i32
        %dma_start3A_137 = arith.constant 0 : i32
        %dma_start3A_138 = tpu.memref_slice %arg9[%dma_start3A_135, %dma_start3A_136, %dma_start3A_137] : memref<2x128x128xf32, #tpu.memory_space<vmem>> -> memref<1x128x128xf32, #tpu.memory_space<vmem>>
        %dma_start3A_139 = tpu.memref_squeeze %dma_start3A_138 : memref<1x128x128xf32, #tpu.memory_space<vmem>> -> memref<128x128xf32, #tpu.memory_space<vmem>>
        %dma_start3A_140 = arith.constant 0 : i32
        %dma_start3A_141 = tpu.memref_slice %arg7[%add3A_134, %dma_start3A_140] : memref<40x128xi32, #tpu.memory_space<vmem>> -> memref<1x128xi32, #tpu.memory_space<vmem>>
        %dma_start3A_142 = tpu.memref_squeeze %dma_start3A_141 : memref<1x128xi32, #tpu.memory_space<vmem>> -> memref<128xi32, #tpu.memory_space<vmem>>
        %dma_start3A_143 = arith.constant 0 : i32
        %dma_start3A_144 = arith.constant 0 : i32
        %dma_start3A_145 = tpu.memref_slice %arg2[%dma_start3A_143, %dma_start3A_144] : memref<20480x128xf32, #tpu.memory_space<hbm>> -> memref<20480x128xf32, #tpu.memory_space<hbm>>
        tpu.enqueue_indirect_dma source(%dma_start3A_145 : memref<20480x128xf32, #tpu.memory_space<hbm>>) target(%dma_start3A_139 : memref<128x128xf32, #tpu.memory_space<vmem>>) offsets(%dma_start3A_142 : memref<128xi32, #tpu.memory_space<vmem>>) semaphore(%arg11 : memref<!tpu.dma_semaphore, #tpu.memory_space<semaphore_mem>>)
      } else {
      }
      %mul3A_109 = arith.constant 2 : i32
      %mul3A_110 = arith.muli %scan3A_88, %mul3A_109 : i32
      %add3A_111 = arith.constant 1 : i32
      %add3A_112 = arith.addi %mul3A_110, %add3A_111 : i32
      %dma_wait3A_113 = arith.constant 1 : i32
      %dma_wait3A_114 = arith.constant 0 : i32
      %dma_wait3A_115 = arith.constant 0 : i32
      %dma_wait3A_116 = tpu.memref_slice %arg9[%dma_wait3A_113, %dma_wait3A_114, %dma_wait3A_115] : memref<2x128x128xf32, #tpu.memory_space<vmem>> -> memref<1x128x128xf32, #tpu.memory_space<vmem>>
      %dma_wait3A_117 = tpu.memref_squeeze %dma_wait3A_116 : memref<1x128x128xf32, #tpu.memory_space<vmem>> -> memref<128x128xf32, #tpu.memory_space<vmem>>
      %dma_wait3A_118 = arith.constant 0 : i32
      %dma_wait3A_119 = tpu.memref_slice %arg7[%add3A_112, %dma_wait3A_118] : memref<40x128xi32, #tpu.memory_space<vmem>> -> memref<1x128xi32, #tpu.memory_space<vmem>>
      %dma_wait3A_120 = tpu.memref_squeeze %dma_wait3A_119 : memref<1x128xi32, #tpu.memory_space<vmem>> -> memref<128xi32, #tpu.memory_space<vmem>>
      %dma_wait3A_121 = arith.constant 0 : i32
      %dma_wait3A_122 = arith.constant 0 : i32
      %dma_wait3A_123 = tpu.memref_slice %arg2[%dma_wait3A_121, %dma_wait3A_122] : memref<20480x128xf32, #tpu.memory_space<hbm>> -> memref<20480x128xf32, #tpu.memory_space<hbm>>
      tpu.wait_indirect_dma semaphore(%arg12 : memref<!tpu.dma_semaphore, #tpu.memory_space<semaphore_mem>>) src(%dma_wait3A_123 : memref<20480x128xf32, #tpu.memory_space<hbm>>) dst(%dma_wait3A_117 : memref<128x128xf32, #tpu.memory_space<vmem>>)
      %run_scoped3A_124 = arith.constant 1 : i32
      "tpu.region"() ({
        %run_scoped3A_133 = tpu.sem_alloc : memref<!tpu.dma_semaphore, #tpu.memory_space<semaphore_mem>>
        %dma_start3A_134 = arith.constant 0 : i32
        %dma_start3A_135 = arith.constant 0 : i32
        %dma_start3A_136 = tpu.memref_slice %arg9[%run_scoped3A_124, %dma_start3A_134, %dma_start3A_135] : memref<2x128x128xf32, #tpu.memory_space<vmem>> -> memref<1x128x128xf32, #tpu.memory_space<vmem>>
        %dma_start3A_137 = tpu.memref_squeeze %dma_start3A_136 : memref<1x128x128xf32, #tpu.memory_space<vmem>> -> memref<128x128xf32, #tpu.memory_space<vmem>>
        %dma_start3A_138 = arith.constant 0 : i32
        %dma_start3A_139 = tpu.memref_slice %arg8[%add3A_112, %dma_start3A_138] : memref<40x128xi32, #tpu.memory_space<vmem>> -> memref<1x128xi32, #tpu.memory_space<vmem>>
        %dma_start3A_140 = tpu.memref_squeeze %dma_start3A_139 : memref<1x128xi32, #tpu.memory_space<vmem>> -> memref<128xi32, #tpu.memory_space<vmem>>
        %dma_start3A_141 = arith.constant 0 : i32
        %dma_start3A_142 = arith.constant 0 : i32
        %dma_start3A_143 = tpu.memref_slice %arg10[%dma_start3A_141, %dma_start3A_142] : memref<10240x128xf32, #tpu.memory_space<vmem_shared>> -> memref<10240x128xf32, #tpu.memory_space<vmem_shared>>
        tpu.enqueue_indirect_dma source(%dma_start3A_137 : memref<128x128xf32, #tpu.memory_space<vmem>>) target(%dma_start3A_143 : memref<10240x128xf32, #tpu.memory_space<vmem_shared>>) offsets(%dma_start3A_140 : memref<128xi32, #tpu.memory_space<vmem>>) semaphore(%run_scoped3A_133 : memref<!tpu.dma_semaphore, #tpu.memory_space<semaphore_mem>>) {add = true}
        %dma_wait3A_144 = arith.constant 0 : i32
        %dma_wait3A_145 = arith.constant 0 : i32
        %dma_wait3A_146 = tpu.memref_slice %arg9[%run_scoped3A_124, %dma_wait3A_144, %dma_wait3A_145] : memref<2x128x128xf32, #tpu.memory_space<vmem>> -> memref<1x128x128xf32, #tpu.memory_space<vmem>>
        %dma_wait3A_147 = tpu.memref_squeeze %dma_wait3A_146 : memref<1x128x128xf32, #tpu.memory_space<vmem>> -> memref<128x128xf32, #tpu.memory_space<vmem>>
        %dma_wait3A_148 = arith.constant 0 : i32
        %dma_wait3A_149 = tpu.memref_slice %arg8[%add3A_112, %dma_wait3A_148] : memref<40x128xi32, #tpu.memory_space<vmem>> -> memref<1x128xi32, #tpu.memory_space<vmem>>
        %dma_wait3A_150 = tpu.memref_squeeze %dma_wait3A_149 : memref<1x128xi32, #tpu.memory_space<vmem>> -> memref<128xi32, #tpu.memory_space<vmem>>
        %dma_wait3A_151 = arith.constant 0 : i32
        %dma_wait3A_152 = arith.constant 0 : i32
        %dma_wait3A_153 = tpu.memref_slice %arg10[%dma_wait3A_151, %dma_wait3A_152] : memref<10240x128xf32, #tpu.memory_space<vmem_shared>> -> memref<10240x128xf32, #tpu.memory_space<vmem_shared>>
        tpu.wait_indirect_dma semaphore(%run_scoped3A_133 : memref<!tpu.dma_semaphore, #tpu.memory_space<semaphore_mem>>) src(%dma_wait3A_147 : memref<128x128xf32, #tpu.memory_space<vmem>>) dst(%dma_wait3A_153 : memref<10240x128xf32, #tpu.memory_space<vmem_shared>>)
        tpu.yield
      }) : () -> ()
      %add3A_125 = arith.constant 2 : i32
      %add3A_126 = arith.addi %add3A_112, %add3A_125 : i32
      %lt3A_127 = arith.constant 40 : i32
      %lt3A_128 = arith.cmpi slt, %add3A_126, %lt3A_127 : i32
      %convert_element_type3A_129 = arith.extui %lt3A_128 : i1 to i32
      %cond3A_130 = arith.constant 0 : i32
      %cond3A_131 = arith.cmpi ne, %convert_element_type3A_129, %cond3A_130 : i32
      scf.if %cond3A_131 {
        %add3A_133 = arith.constant 2 : i32
        %add3A_134 = arith.addi %add3A_112, %add3A_133 : i32
        %dma_start3A_135 = arith.constant 1 : i32
        %dma_start3A_136 = arith.constant 0 : i32
        %dma_start3A_137 = arith.constant 0 : i32
        %dma_start3A_138 = tpu.memref_slice %arg9[%dma_start3A_135, %dma_start3A_136, %dma_start3A_137] : memref<2x128x128xf32, #tpu.memory_space<vmem>> -> memref<1x128x128xf32, #tpu.memory_space<vmem>>
        %dma_start3A_139 = tpu.memref_squeeze %dma_start3A_138 : memref<1x128x128xf32, #tpu.memory_space<vmem>> -> memref<128x128xf32, #tpu.memory_space<vmem>>
        %dma_start3A_140 = arith.constant 0 : i32
        %dma_start3A_141 = tpu.memref_slice %arg7[%add3A_134, %dma_start3A_140] : memref<40x128xi32, #tpu.memory_space<vmem>> -> memref<1x128xi32, #tpu.memory_space<vmem>>
        %dma_start3A_142 = tpu.memref_squeeze %dma_start3A_141 : memref<1x128xi32, #tpu.memory_space<vmem>> -> memref<128xi32, #tpu.memory_space<vmem>>
        %dma_start3A_143 = arith.constant 0 : i32
        %dma_start3A_144 = arith.constant 0 : i32
        %dma_start3A_145 = tpu.memref_slice %arg2[%dma_start3A_143, %dma_start3A_144] : memref<20480x128xf32, #tpu.memory_space<hbm>> -> memref<20480x128xf32, #tpu.memory_space<hbm>>
        tpu.enqueue_indirect_dma source(%dma_start3A_145 : memref<20480x128xf32, #tpu.memory_space<hbm>>) target(%dma_start3A_139 : memref<128x128xf32, #tpu.memory_space<vmem>>) offsets(%dma_start3A_142 : memref<128xi32, #tpu.memory_space<vmem>>) semaphore(%arg12 : memref<!tpu.dma_semaphore, #tpu.memory_space<semaphore_mem>>)
      } else {
      }
      %scan3A_132 = arith.constant 0 : i32
      scf.yield %scan3A_132 : i32
    }
    %scan3A_42 = arith.constant 20 : i32
    %run_scoped3A_43 = arith.constant 1 : i32
    "tpu.region"() ({
      %run_scoped3A_88 = tpu.sem_alloc : memref<!tpu.dma_semaphore, #tpu.memory_space<semaphore_mem>>
      %dma_start3A_89 = arith.constant 0 : i32
      %dma_start3A_90 = arith.constant 0 : i32
      %dma_start3A_91 = tpu.memref_slice %arg3[%arg1, %run_scoped3A_43, %dma_start3A_89, %dma_start3A_90] : memref<16x2x40x128xi32, #tpu.memory_space<hbm>> -> memref<1x1x40x128xi32, #tpu.memory_space<hbm>>
      %dma_start3A_92 = tpu.memref_squeeze %dma_start3A_91 : memref<1x1x40x128xi32, #tpu.memory_space<hbm>> -> memref<40x128xi32, #tpu.memory_space<hbm>>
      %dma_start3A_93 = arith.constant 0 : i32
      %dma_start3A_94 = arith.constant 0 : i32
      %dma_start3A_95 = tpu.memref_slice %arg3[%arg1, %run_scoped3A_43, %dma_start3A_93, %dma_start3A_94] : memref<16x2x40x128xi32, #tpu.memory_space<hbm>> -> memref<1x1x40x128xi32, #tpu.memory_space<hbm>>
      %dma_start3A_96 = tpu.memref_squeeze %dma_start3A_95 : memref<1x1x40x128xi32, #tpu.memory_space<hbm>> -> memref<40x128xi32, #tpu.memory_space<hbm>>
      tpu.enqueue_dma source(%dma_start3A_96 : memref<40x128xi32, #tpu.memory_space<hbm>>) target(%arg7 : memref<40x128xi32, #tpu.memory_space<vmem>>) target_semaphore(%run_scoped3A_88 : memref<!tpu.dma_semaphore, #tpu.memory_space<semaphore_mem>>)
      %dma_wait3A_97 = arith.constant 0 : i32
      %dma_wait3A_98 = arith.constant 0 : i32
      %dma_wait3A_99 = tpu.memref_slice %arg3[%arg1, %run_scoped3A_43, %dma_wait3A_97, %dma_wait3A_98] : memref<16x2x40x128xi32, #tpu.memory_space<hbm>> -> memref<1x1x40x128xi32, #tpu.memory_space<hbm>>
      %dma_wait3A_100 = tpu.memref_squeeze %dma_wait3A_99 : memref<1x1x40x128xi32, #tpu.memory_space<hbm>> -> memref<40x128xi32, #tpu.memory_space<hbm>>
      %dma_wait3A_101 = arith.constant 0 : i32
      %dma_wait3A_102 = arith.constant 0 : i32
      %dma_wait3A_103 = tpu.memref_slice %arg3[%arg1, %run_scoped3A_43, %dma_wait3A_101, %dma_wait3A_102] : memref<16x2x40x128xi32, #tpu.memory_space<hbm>> -> memref<1x1x40x128xi32, #tpu.memory_space<hbm>>
      %dma_wait3A_104 = tpu.memref_squeeze %dma_wait3A_103 : memref<1x1x40x128xi32, #tpu.memory_space<hbm>> -> memref<40x128xi32, #tpu.memory_space<hbm>>
      tpu.wait_dma2 semaphore(%run_scoped3A_88 : memref<!tpu.dma_semaphore, #tpu.memory_space<semaphore_mem>>) src(%dma_wait3A_104 : memref<40x128xi32, #tpu.memory_space<hbm>>) dst(%arg7 : memref<40x128xi32, #tpu.memory_space<vmem>>)
      tpu.yield
    }) : () -> ()
    %run_scoped3A_44 = arith.constant 1 : i32
    "tpu.region"() ({
      %run_scoped3A_88 = tpu.sem_alloc : memref<!tpu.dma_semaphore, #tpu.memory_space<semaphore_mem>>
      %dma_start3A_89 = arith.constant 0 : i32
      %dma_start3A_90 = arith.constant 0 : i32
      %dma_start3A_91 = tpu.memref_slice %arg4[%arg1, %run_scoped3A_44, %dma_start3A_89, %dma_start3A_90] : memref<16x2x40x128xi32, #tpu.memory_space<hbm>> -> memref<1x1x40x128xi32, #tpu.memory_space<hbm>>
      %dma_start3A_92 = tpu.memref_squeeze %dma_start3A_91 : memref<1x1x40x128xi32, #tpu.memory_space<hbm>> -> memref<40x128xi32, #tpu.memory_space<hbm>>
      %dma_start3A_93 = arith.constant 0 : i32
      %dma_start3A_94 = arith.constant 0 : i32
      %dma_start3A_95 = tpu.memref_slice %arg4[%arg1, %run_scoped3A_44, %dma_start3A_93, %dma_start3A_94] : memref<16x2x40x128xi32, #tpu.memory_space<hbm>> -> memref<1x1x40x128xi32, #tpu.memory_space<hbm>>
      %dma_start3A_96 = tpu.memref_squeeze %dma_start3A_95 : memref<1x1x40x128xi32, #tpu.memory_space<hbm>> -> memref<40x128xi32, #tpu.memory_space<hbm>>
      tpu.enqueue_dma source(%dma_start3A_96 : memref<40x128xi32, #tpu.memory_space<hbm>>) target(%arg8 : memref<40x128xi32, #tpu.memory_space<vmem>>) target_semaphore(%run_scoped3A_88 : memref<!tpu.dma_semaphore, #tpu.memory_space<semaphore_mem>>)
      %dma_wait3A_97 = arith.constant 0 : i32
      %dma_wait3A_98 = arith.constant 0 : i32
      %dma_wait3A_99 = tpu.memref_slice %arg4[%arg1, %run_scoped3A_44, %dma_wait3A_97, %dma_wait3A_98] : memref<16x2x40x128xi32, #tpu.memory_space<hbm>> -> memref<1x1x40x128xi32, #tpu.memory_space<hbm>>
      %dma_wait3A_100 = tpu.memref_squeeze %dma_wait3A_99 : memref<1x1x40x128xi32, #tpu.memory_space<hbm>> -> memref<40x128xi32, #tpu.memory_space<hbm>>
      %dma_wait3A_101 = arith.constant 0 : i32
      %dma_wait3A_102 = arith.constant 0 : i32
      %dma_wait3A_103 = tpu.memref_slice %arg4[%arg1, %run_scoped3A_44, %dma_wait3A_101, %dma_wait3A_102] : memref<16x2x40x128xi32, #tpu.memory_space<hbm>> -> memref<1x1x40x128xi32, #tpu.memory_space<hbm>>
      %dma_wait3A_104 = tpu.memref_squeeze %dma_wait3A_103 : memref<1x1x40x128xi32, #tpu.memory_space<hbm>> -> memref<40x128xi32, #tpu.memory_space<hbm>>
      tpu.wait_dma2 semaphore(%run_scoped3A_88 : memref<!tpu.dma_semaphore, #tpu.memory_space<semaphore_mem>>) src(%dma_wait3A_104 : memref<40x128xi32, #tpu.memory_space<hbm>>) dst(%arg8 : memref<40x128xi32, #tpu.memory_space<vmem>>)
      tpu.yield
    }) : () -> ()
    %scan3A_45 = arith.constant 0 : i32
    %scan3A_46 = arith.constant 0 : i32
    %scan3A_47 = arith.constant 40 : i32
    %scan3A_48 = arith.addi %scan3A_46, %scan3A_47 : i32
    %scan3A_49 = arith.constant 1 : i32
    %scan3A_50 = scf.for %scan3A_88 = %scan3A_46 to %scan3A_48 step %scan3A_49 iter_args(%scan3A_89 = %scan3A_45) -> (i32)  : i32 {
      %scan3A_90 = arith.constant 0 : i32
      %scan3A_91 = arith.constant 0 : i32
      %scan3A_92 = arith.constant 8 : i32
      %scan3A_93 = arith.addi %scan3A_91, %scan3A_92 : i32
      %scan3A_94 = arith.constant 1 : i32
      %scan3A_95 = scf.for %scan3A_98 = %scan3A_91 to %scan3A_93 step %scan3A_94 iter_args(%scan3A_99 = %scan3A_90) -> (i32)  : i32 {
        %mul3A_100 = arith.constant 16 : i32
        %mul3A_101 = arith.muli %scan3A_98, %mul3A_100 : i32
        %multiple_of3A = tpu.assume_multiple %mul3A_101, 16 : i32
        %get3A = arith.index_cast %scan3A_88 : i32 to index
        %get3A_102 = arith.index_cast %multiple_of3A : i32 to index
        %get3A_103 = tpu.vector_load %arg7[%get3A, %get3A_102] {strides = array<i32>} : memref<40x128xi32, #tpu.memory_space<vmem>>, vector<16xi32>,
        %add3A = vector.broadcast %mul3A_3 : i32 to vector<16xi32>
        %add3A_104 = arith.addi %get3A_103, %add3A : vector<16xi32>
        %swap3A = arith.index_cast %scan3A_88 : i32 to index
        %swap3A_105 = arith.index_cast %multiple_of3A : i32 to index
        %swap3A_106 = tpu.vector_load %arg7[%swap3A, %swap3A_105] {strides = array<i32>} : memref<40x128xi32, #tpu.memory_space<vmem>>, vector<16xi32>,
        tpu.vector_store %arg7[%swap3A, %swap3A_105], %add3A_104 {strides = array<i32>} : memref<40x128xi32, #tpu.memory_space<vmem>>, vector<16xi32>,
        %scan3A_107 = arith.constant 0 : i32
        scf.yield %scan3A_107 : i32
      }
      %scan3A_96 = arith.constant 8 : i32
      %scan3A_97 = arith.constant 0 : i32
      scf.yield %scan3A_97 : i32
    }
    %scan3A_51 = arith.constant 40 : i32
    %dma_start3A_52 = arith.constant 0 : i32
    %dma_start3A_53 = arith.constant 0 : i32
    %dma_start3A_54 = arith.constant 0 : i32
    %dma_start3A_55 = arith.constant 0 : i32
    %dma_start3A_56 = tpu.memref_slice %arg9[%dma_start3A_53, %dma_start3A_54, %dma_start3A_55] : memref<2x128x128xf32, #tpu.memory_space<vmem>> -> memref<1x128x128xf32, #tpu.memory_space<vmem>>
    %dma_start3A_57 = tpu.memref_squeeze %dma_start3A_56 : memref<1x128x128xf32, #tpu.memory_space<vmem>> -> memref<128x128xf32, #tpu.memory_space<vmem>>
    %dma_start3A_58 = arith.constant 0 : i32
    %dma_start3A_59 = tpu.memref_slice %arg7[%dma_start3A_52, %dma_start3A_58] : memref<40x128xi32, #tpu.memory_space<vmem>> -> memref<1x128xi32, #tpu.memory_space<vmem>>
    %dma_start3A_60 = tpu.memref_squeeze %dma_start3A_59 : memref<1x128xi32, #tpu.memory_space<vmem>> -> memref<128xi32, #tpu.memory_space<vmem>>
    %dma_start3A_61 = arith.constant 0 : i32
    %dma_start3A_62 = arith.constant 0 : i32
    %dma_start3A_63 = tpu.memref_slice %arg2[%dma_start3A_61, %dma_start3A_62] : memref<20480x128xf32, #tpu.memory_space<hbm>> -> memref<20480x128xf32, #tpu.memory_space<hbm>>
    tpu.enqueue_indirect_dma source(%dma_start3A_63 : memref<20480x128xf32, #tpu.memory_space<hbm>>) target(%dma_start3A_57 : memref<128x128xf32, #tpu.memory_space<vmem>>) offsets(%dma_start3A_60 : memref<128xi32, #tpu.memory_space<vmem>>) semaphore(%arg11 : memref<!tpu.dma_semaphore, #tpu.memory_space<semaphore_mem>>)
    %dma_start3A_64 = arith.constant 1 : i32
    %dma_start3A_65 = arith.constant 1 : i32
    %dma_start3A_66 = arith.constant 0 : i32
    %dma_start3A_67 = arith.constant 0 : i32
    %dma_start3A_68 = tpu.memref_slice %arg9[%dma_start3A_65, %dma_start3A_66, %dma_start3A_67] : memref<2x128x128xf32, #tpu.memory_space<vmem>> -> memref<1x128x128xf32, #tpu.memory_space<vmem>>
    %dma_start3A_69 = tpu.memref_squeeze %dma_start3A_68 : memref<1x128x128xf32, #tpu.memory_space<vmem>> -> memref<128x128xf32, #tpu.memory_space<vmem>>
    %dma_start3A_70 = arith.constant 0 : i32
    %dma_start3A_71 = tpu.memref_slice %arg7[%dma_start3A_64, %dma_start3A_70] : memref<40x128xi32, #tpu.memory_space<vmem>> -> memref<1x128xi32, #tpu.memory_space<vmem>>
    %dma_start3A_72 = tpu.memref_squeeze %dma_start3A_71 : memref<1x128xi32, #tpu.memory_space<vmem>> -> memref<128xi32, #tpu.memory_space<vmem>>
    %dma_start3A_73 = arith.constant 0 : i32
    %dma_start3A_74 = arith.constant 0 : i32
    %dma_start3A_75 = tpu.memref_slice %arg2[%dma_start3A_73, %dma_start3A_74] : memref<20480x128xf32, #tpu.memory_space<hbm>> -> memref<20480x128xf32, #tpu.memory_space<hbm>>
    tpu.enqueue_indirect_dma source(%dma_start3A_75 : memref<20480x128xf32, #tpu.memory_space<hbm>>) target(%dma_start3A_69 : memref<128x128xf32, #tpu.memory_space<vmem>>) offsets(%dma_start3A_72 : memref<128xi32, #tpu.memory_space<vmem>>) semaphore(%arg12 : memref<!tpu.dma_semaphore, #tpu.memory_space<semaphore_mem>>)
    %scan3A_76 = arith.constant 0 : i32
    %scan3A_77 = arith.constant 0 : i32
    %scan3A_78 = arith.constant 20 : i32
    %scan3A_79 = arith.addi %scan3A_77, %scan3A_78 : i32
    %scan3A_80 = arith.constant 1 : i32
    %scan3A_81 = scf.for %scan3A_88 = %scan3A_77 to %scan3A_79 step %scan3A_80 iter_args(%scan3A_89 = %scan3A_76) -> (i32)  : i32 {
      %mul3A_90 = arith.constant 2 : i32
      %mul3A_91 = arith.muli %scan3A_88, %mul3A_90 : i32
      %add3A = arith.constant 0 : i32
      %add3A_92 = arith.addi %mul3A_91, %add3A : i32
      %dma_wait3A_93 = arith.constant 0 : i32
      %dma_wait3A_94 = arith.constant 0 : i32
      %dma_wait3A_95 = arith.constant 0 : i32
      %dma_wait3A_96 = tpu.memref_slice %arg9[%dma_wait3A_93, %dma_wait3A_94, %dma_wait3A_95] : memref<2x128x128xf32, #tpu.memory_space<vmem>> -> memref<1x128x128xf32, #tpu.memory_space<vmem>>
      %dma_wait3A_97 = tpu.memref_squeeze %dma_wait3A_96 : memref<1x128x128xf32, #tpu.memory_space<vmem>> -> memref<128x128xf32, #tpu.memory_space<vmem>>
      %dma_wait3A_98 = arith.constant 0 : i32
      %dma_wait3A_99 = tpu.memref_slice %arg7[%add3A_92, %dma_wait3A_98] : memref<40x128xi32, #tpu.memory_space<vmem>> -> memref<1x128xi32, #tpu.memory_space<vmem>>
      %dma_wait3A_100 = tpu.memref_squeeze %dma_wait3A_99 : memref<1x128xi32, #tpu.memory_space<vmem>> -> memref<128xi32, #tpu.memory_space<vmem>>
      %dma_wait3A_101 = arith.constant 0 : i32
      %dma_wait3A_102 = arith.constant 0 : i32
      %dma_wait3A_103 = tpu.memref_slice %arg2[%dma_wait3A_101, %dma_wait3A_102] : memref<20480x128xf32, #tpu.memory_space<hbm>> -> memref<20480x128xf32, #tpu.memory_space<hbm>>
      tpu.wait_indirect_dma semaphore(%arg11 : memref<!tpu.dma_semaphore, #tpu.memory_space<semaphore_mem>>) src(%dma_wait3A_103 : memref<20480x128xf32, #tpu.memory_space<hbm>>) dst(%dma_wait3A_97 : memref<128x128xf32, #tpu.memory_space<vmem>>)
      %run_scoped3A_104 = arith.constant 0 : i32
      "tpu.region"() ({
        %run_scoped3A_133 = tpu.sem_alloc : memref<!tpu.dma_semaphore, #tpu.memory_space<semaphore_mem>>
        %dma_start3A_134 = arith.constant 0 : i32
        %dma_start3A_135 = arith.constant 0 : i32
        %dma_start3A_136 = tpu.memref_slice %arg9[%run_scoped3A_104, %dma_start3A_134, %dma_start3A_135] : memref<2x128x128xf32, #tpu.memory_space<vmem>> -> memref<1x128x128xf32, #tpu.memory_space<vmem>>
        %dma_start3A_137 = tpu.memref_squeeze %dma_start3A_136 : memref<1x128x128xf32, #tpu.memory_space<vmem>> -> memref<128x128xf32, #tpu.memory_space<vmem>>
        %dma_start3A_138 = arith.constant 0 : i32
        %dma_start3A_139 = tpu.memref_slice %arg8[%add3A_92, %dma_start3A_138] : memref<40x128xi32, #tpu.memory_space<vmem>> -> memref<1x128xi32, #tpu.memory_space<vmem>>
        %dma_start3A_140 = tpu.memref_squeeze %dma_start3A_139 : memref<1x128xi32, #tpu.memory_space<vmem>> -> memref<128xi32, #tpu.memory_space<vmem>>
        %dma_start3A_141 = arith.constant 0 : i32
        %dma_start3A_142 = arith.constant 0 : i32
        %dma_start3A_143 = tpu.memref_slice %arg10[%dma_start3A_141, %dma_start3A_142] : memref<10240x128xf32, #tpu.memory_space<vmem_shared>> -> memref<10240x128xf32, #tpu.memory_space<vmem_shared>>
        tpu.enqueue_indirect_dma source(%dma_start3A_137 : memref<128x128xf32, #tpu.memory_space<vmem>>) target(%dma_start3A_143 : memref<10240x128xf32, #tpu.memory_space<vmem_shared>>) offsets(%dma_start3A_140 : memref<128xi32, #tpu.memory_space<vmem>>) semaphore(%run_scoped3A_133 : memref<!tpu.dma_semaphore, #tpu.memory_space<semaphore_mem>>) {add = true}
        %dma_wait3A_144 = arith.constant 0 : i32
        %dma_wait3A_145 = arith.constant 0 : i32
        %dma_wait3A_146 = tpu.memref_slice %arg9[%run_scoped3A_104, %dma_wait3A_144, %dma_wait3A_145] : memref<2x128x128xf32, #tpu.memory_space<vmem>> -> memref<1x128x128xf32, #tpu.memory_space<vmem>>
        %dma_wait3A_147 = tpu.memref_squeeze %dma_wait3A_146 : memref<1x128x128xf32, #tpu.memory_space<vmem>> -> memref<128x128xf32, #tpu.memory_space<vmem>>
        %dma_wait3A_148 = arith.constant 0 : i32
        %dma_wait3A_149 = tpu.memref_slice %arg8[%add3A_92, %dma_wait3A_148] : memref<40x128xi32, #tpu.memory_space<vmem>> -> memref<1x128xi32, #tpu.memory_space<vmem>>
        %dma_wait3A_150 = tpu.memref_squeeze %dma_wait3A_149 : memref<1x128xi32, #tpu.memory_space<vmem>> -> memref<128xi32, #tpu.memory_space<vmem>>
        %dma_wait3A_151 = arith.constant 0 : i32
        %dma_wait3A_152 = arith.constant 0 : i32
        %dma_wait3A_153 = tpu.memref_slice %arg10[%dma_wait3A_151, %dma_wait3A_152] : memref<10240x128xf32, #tpu.memory_space<vmem_shared>> -> memref<10240x128xf32, #tpu.memory_space<vmem_shared>>
        tpu.wait_indirect_dma semaphore(%run_scoped3A_133 : memref<!tpu.dma_semaphore, #tpu.memory_space<semaphore_mem>>) src(%dma_wait3A_147 : memref<128x128xf32, #tpu.memory_space<vmem>>) dst(%dma_wait3A_153 : memref<10240x128xf32, #tpu.memory_space<vmem_shared>>)
        tpu.yield
      }) : () -> ()
      %add3A_105 = arith.constant 2 : i32
      %add3A_106 = arith.addi %add3A_92, %add3A_105 : i32
      %lt3A = arith.constant 40 : i32
      %lt3A_107 = arith.cmpi slt, %add3A_106, %lt3A : i32
      %convert_element_type3A = arith.extui %lt3A_107 : i1 to i32
      %cond3A = arith.constant 0 : i32
      %cond3A_108 = arith.cmpi ne, %convert_element_type3A, %cond3A : i32
      scf.if %cond3A_108 {
        %add3A_133 = arith.constant 2 : i32
        %add3A_134 = arith.addi %add3A_92, %add3A_133 : i32
        %dma_start3A_135 = arith.constant 0 : i32
        %dma_start3A_136 = arith.constant 0 : i32
        %dma_start3A_137 = arith.constant 0 : i32
        %dma_start3A_138 = tpu.memref_slice %arg9[%dma_start3A_135, %dma_start3A_136, %dma_start3A_137] : memref<2x128x128xf32, #tpu.memory_space<vmem>> -> memref<1x128x128xf32, #tpu.memory_space<vmem>>
        %dma_start3A_139 = tpu.memref_squeeze %dma_start3A_138 : memref<1x128x128xf32, #tpu.memory_space<vmem>> -> memref<128x128xf32, #tpu.memory_space<vmem>>
        %dma_start3A_140 = arith.constant 0 : i32
        %dma_start3A_141 = tpu.memref_slice %arg7[%add3A_134, %dma_start3A_140] : memref<40x128xi32, #tpu.memory_space<vmem>> -> memref<1x128xi32, #tpu.memory_space<vmem>>
        %dma_start3A_142 = tpu.memref_squeeze %dma_start3A_141 : memref<1x128xi32, #tpu.memory_space<vmem>> -> memref<128xi32, #tpu.memory_space<vmem>>
        %dma_start3A_143 = arith.constant 0 : i32
        %dma_start3A_144 = arith.constant 0 : i32
        %dma_start3A_145 = tpu.memref_slice %arg2[%dma_start3A_143, %dma_start3A_144] : memref<20480x128xf32, #tpu.memory_space<hbm>> -> memref<20480x128xf32, #tpu.memory_space<hbm>>
        tpu.enqueue_indirect_dma source(%dma_start3A_145 : memref<20480x128xf32, #tpu.memory_space<hbm>>) target(%dma_start3A_139 : memref<128x128xf32, #tpu.memory_space<vmem>>) offsets(%dma_start3A_142 : memref<128xi32, #tpu.memory_space<vmem>>) semaphore(%arg11 : memref<!tpu.dma_semaphore, #tpu.memory_space<semaphore_mem>>)
      } else {
      }
      %mul3A_109 = arith.constant 2 : i32
      %mul3A_110 = arith.muli %scan3A_88, %mul3A_109 : i32
      %add3A_111 = arith.constant 1 : i32
      %add3A_112 = arith.addi %mul3A_110, %add3A_111 : i32
      %dma_wait3A_113 = arith.constant 1 : i32
      %dma_wait3A_114 = arith.constant 0 : i32
      %dma_wait3A_115 = arith.constant 0 : i32
      %dma_wait3A_116 = tpu.memref_slice %arg9[%dma_wait3A_113, %dma_wait3A_114, %dma_wait3A_115] : memref<2x128x128xf32, #tpu.memory_space<vmem>> -> memref<1x128x128xf32, #tpu.memory_space<vmem>>
      %dma_wait3A_117 = tpu.memref_squeeze %dma_wait3A_116 : memref<1x128x128xf32, #tpu.memory_space<vmem>> -> memref<128x128xf32, #tpu.memory_space<vmem>>
      %dma_wait3A_118 = arith.constant 0 : i32
      %dma_wait3A_119 = tpu.memref_slice %arg7[%add3A_112, %dma_wait3A_118] : memref<40x128xi32, #tpu.memory_space<vmem>> -> memref<1x128xi32, #tpu.memory_space<vmem>>
      %dma_wait3A_120 = tpu.memref_squeeze %dma_wait3A_119 : memref<1x128xi32, #tpu.memory_space<vmem>> -> memref<128xi32, #tpu.memory_space<vmem>>
      %dma_wait3A_121 = arith.constant 0 : i32
      %dma_wait3A_122 = arith.constant 0 : i32
      %dma_wait3A_123 = tpu.memref_slice %arg2[%dma_wait3A_121, %dma_wait3A_122] : memref<20480x128xf32, #tpu.memory_space<hbm>> -> memref<20480x128xf32, #tpu.memory_space<hbm>>
      tpu.wait_indirect_dma semaphore(%arg12 : memref<!tpu.dma_semaphore, #tpu.memory_space<semaphore_mem>>) src(%dma_wait3A_123 : memref<20480x128xf32, #tpu.memory_space<hbm>>) dst(%dma_wait3A_117 : memref<128x128xf32, #tpu.memory_space<vmem>>)
      %run_scoped3A_124 = arith.constant 1 : i32
      "tpu.region"() ({
        %run_scoped3A_133 = tpu.sem_alloc : memref<!tpu.dma_semaphore, #tpu.memory_space<semaphore_mem>>
        %dma_start3A_134 = arith.constant 0 : i32
        %dma_start3A_135 = arith.constant 0 : i32
        %dma_start3A_136 = tpu.memref_slice %arg9[%run_scoped3A_124, %dma_start3A_134, %dma_start3A_135] : memref<2x128x128xf32, #tpu.memory_space<vmem>> -> memref<1x128x128xf32, #tpu.memory_space<vmem>>
        %dma_start3A_137 = tpu.memref_squeeze %dma_start3A_136 : memref<1x128x128xf32, #tpu.memory_space<vmem>> -> memref<128x128xf32, #tpu.memory_space<vmem>>
        %dma_start3A_138 = arith.constant 0 : i32
        %dma_start3A_139 = tpu.memref_slice %arg8[%add3A_112, %dma_start3A_138] : memref<40x128xi32, #tpu.memory_space<vmem>> -> memref<1x128xi32, #tpu.memory_space<vmem>>
        %dma_start3A_140 = tpu.memref_squeeze %dma_start3A_139 : memref<1x128xi32, #tpu.memory_space<vmem>> -> memref<128xi32, #tpu.memory_space<vmem>>
        %dma_start3A_141 = arith.constant 0 : i32
        %dma_start3A_142 = arith.constant 0 : i32
        %dma_start3A_143 = tpu.memref_slice %arg10[%dma_start3A_141, %dma_start3A_142] : memref<10240x128xf32, #tpu.memory_space<vmem_shared>> -> memref<10240x128xf32, #tpu.memory_space<vmem_shared>>
        tpu.enqueue_indirect_dma source(%dma_start3A_137 : memref<128x128xf32, #tpu.memory_space<vmem>>) target(%dma_start3A_143 : memref<10240x128xf32, #tpu.memory_space<vmem_shared>>) offsets(%dma_start3A_140 : memref<128xi32, #tpu.memory_space<vmem>>) semaphore(%run_scoped3A_133 : memref<!tpu.dma_semaphore, #tpu.memory_space<semaphore_mem>>) {add = true}
        %dma_wait3A_144 = arith.constant 0 : i32
        %dma_wait3A_145 = arith.constant 0 : i32
        %dma_wait3A_146 = tpu.memref_slice %arg9[%run_scoped3A_124, %dma_wait3A_144, %dma_wait3A_145] : memref<2x128x128xf32, #tpu.memory_space<vmem>> -> memref<1x128x128xf32, #tpu.memory_space<vmem>>
        %dma_wait3A_147 = tpu.memref_squeeze %dma_wait3A_146 : memref<1x128x128xf32, #tpu.memory_space<vmem>> -> memref<128x128xf32, #tpu.memory_space<vmem>>
        %dma_wait3A_148 = arith.constant 0 : i32
        %dma_wait3A_149 = tpu.memref_slice %arg8[%add3A_112, %dma_wait3A_148] : memref<40x128xi32, #tpu.memory_space<vmem>> -> memref<1x128xi32, #tpu.memory_space<vmem>>
        %dma_wait3A_150 = tpu.memref_squeeze %dma_wait3A_149 : memref<1x128xi32, #tpu.memory_space<vmem>> -> memref<128xi32, #tpu.memory_space<vmem>>
        %dma_wait3A_151 = arith.constant 0 : i32
        %dma_wait3A_152 = arith.constant 0 : i32
        %dma_wait3A_153 = tpu.memref_slice %arg10[%dma_wait3A_151, %dma_wait3A_152] : memref<10240x128xf32, #tpu.memory_space<vmem_shared>> -> memref<10240x128xf32, #tpu.memory_space<vmem_shared>>
        tpu.wait_indirect_dma semaphore(%run_scoped3A_133 : memref<!tpu.dma_semaphore, #tpu.memory_space<semaphore_mem>>) src(%dma_wait3A_147 : memref<128x128xf32, #tpu.memory_space<vmem>>) dst(%dma_wait3A_153 : memref<10240x128xf32, #tpu.memory_space<vmem_shared>>)
        tpu.yield
      }) : () -> ()
      %add3A_125 = arith.constant 2 : i32
      %add3A_126 = arith.addi %add3A_112, %add3A_125 : i32
      %lt3A_127 = arith.constant 40 : i32
      %lt3A_128 = arith.cmpi slt, %add3A_126, %lt3A_127 : i32
      %convert_element_type3A_129 = arith.extui %lt3A_128 : i1 to i32
      %cond3A_130 = arith.constant 0 : i32
      %cond3A_131 = arith.cmpi ne, %convert_element_type3A_129, %cond3A_130 : i32
      scf.if %cond3A_131 {
        %add3A_133 = arith.constant 2 : i32
        %add3A_134 = arith.addi %add3A_112, %add3A_133 : i32
        %dma_start3A_135 = arith.constant 1 : i32
        %dma_start3A_136 = arith.constant 0 : i32
        %dma_start3A_137 = arith.constant 0 : i32
        %dma_start3A_138 = tpu.memref_slice %arg9[%dma_start3A_135, %dma_start3A_136, %dma_start3A_137] : memref<2x128x128xf32, #tpu.memory_space<vmem>> -> memref<1x128x128xf32, #tpu.memory_space<vmem>>
        %dma_start3A_139 = tpu.memref_squeeze %dma_start3A_138 : memref<1x128x128xf32, #tpu.memory_space<vmem>> -> memref<128x128xf32, #tpu.memory_space<vmem>>
        %dma_start3A_140 = arith.constant 0 : i32
        %dma_start3A_141 = tpu.memref_slice %arg7[%add3A_134, %dma_start3A_140] : memref<40x128xi32, #tpu.memory_space<vmem>> -> memref<1x128xi32, #tpu.memory_space<vmem>>
        %dma_start3A_142 = tpu.memref_squeeze %dma_start3A_141 : memref<1x128xi32, #tpu.memory_space<vmem>> -> memref<128xi32, #tpu.memory_space<vmem>>
        %dma_start3A_143 = arith.constant 0 : i32
        %dma_start3A_144 = arith.constant 0 : i32
        %dma_start3A_145 = tpu.memref_slice %arg2[%dma_start3A_143, %dma_start3A_144] : memref<20480x128xf32, #tpu.memory_space<hbm>> -> memref<20480x128xf32, #tpu.memory_space<hbm>>
        tpu.enqueue_indirect_dma source(%dma_start3A_145 : memref<20480x128xf32, #tpu.memory_space<hbm>>) target(%dma_start3A_139 : memref<128x128xf32, #tpu.memory_space<vmem>>) offsets(%dma_start3A_142 : memref<128xi32, #tpu.memory_space<vmem>>) semaphore(%arg12 : memref<!tpu.dma_semaphore, #tpu.memory_space<semaphore_mem>>)
      } else {
      }
      %scan3A_132 = arith.constant 0 : i32
      scf.yield %scan3A_132 : i32
    }
    %scan3A_82 = arith.constant 20 : i32
    %barrier3A_83 = arith.constant 0 : index
    tpu.barrier barrier_id(%barrier3A_83)
    %mul3A_84 = arith.constant 640 : i32
    %mul3A_85 = arith.muli %arg1, %mul3A_84 : i32
    %mul3A_86 = arith.constant 640 : i32
    %mul3A_87 = arith.muli %arg1, %mul3A_86 : i32
    "tpu.region"() ({
      %run_scoped3A_88 = tpu.sem_alloc : memref<!tpu.dma_semaphore, #tpu.memory_space<semaphore_mem>>
      %dma_start3A_89 = arith.constant 0 : i32
      %dma_start3A_90 = tpu.memref_slice %arg6[%arg0, %mul3A_87, %dma_start3A_89] : memref<2x10240x128xf32, #tpu.memory_space<hbm>> -> memref<1x640x128xf32, #tpu.memory_space<hbm>>
      %dma_start3A_91 = tpu.memref_squeeze %dma_start3A_90 : memref<1x640x128xf32, #tpu.memory_space<hbm>> -> memref<640x128xf32, #tpu.memory_space<hbm>>
      %dma_start3A_92 = arith.constant 0 : i32
      %dma_start3A_93 = tpu.memref_slice %arg10[%mul3A_85, %dma_start3A_92] : memref<10240x128xf32, #tpu.memory_space<vmem_shared>> -> memref<640x128xf32, #tpu.memory_space<vmem_shared>>
      tpu.enqueue_dma source(%dma_start3A_93 : memref<640x128xf32, #tpu.memory_space<vmem_shared>>) target(%dma_start3A_91 : memref<640x128xf32, #tpu.memory_space<hbm>>) target_semaphore(%run_scoped3A_88 : memref<!tpu.dma_semaphore, #tpu.memory_space<semaphore_mem>>)
      %dma_wait3A_94 = arith.constant 0 : i32
      %dma_wait3A_95 = tpu.memref_slice %arg6[%arg0, %mul3A_87, %dma_wait3A_94] : memref<2x10240x128xf32, #tpu.memory_space<hbm>> -> memref<1x640x128xf32, #tpu.memory_space<hbm>>
      %dma_wait3A_96 = tpu.memref_squeeze %dma_wait3A_95 : memref<1x640x128xf32, #tpu.memory_space<hbm>> -> memref<640x128xf32, #tpu.memory_space<hbm>>
      %dma_wait3A_97 = arith.constant 0 : i32
      %dma_wait3A_98 = tpu.memref_slice %arg10[%mul3A_85, %dma_wait3A_97] : memref<10240x128xf32, #tpu.memory_space<vmem_shared>> -> memref<640x128xf32, #tpu.memory_space<vmem_shared>>
      tpu.wait_dma2 semaphore(%run_scoped3A_88 : memref<!tpu.dma_semaphore, #tpu.memory_space<semaphore_mem>>) src(%dma_wait3A_98 : memref<640x128xf32, #tpu.memory_space<vmem_shared>>) dst(%dma_wait3A_96 : memref<640x128xf32, #tpu.memory_space<hbm>>)
      tpu.yield
    }) : () -> ()
    return
  }
}

module attributes {stable_mosaic.version = 14 : i64} {
  func.func @_mm_body(%arg0: i32, %arg1: memref<1280x256xf32, #tpu.memory_space<vmem>>, %arg2: memref<256x512xf32, #tpu.memory_space<vmem>>, %arg3: memref<512x256xf32, #tpu.memory_space<vmem>>, %arg4: memref<2x16x1280xi32, #tpu.memory_space<vmem>>, %arg5: memref<2x1280x128xf32, #tpu.memory_space<vmem>>, %arg6: memref<1280x1xf32, #tpu.memory_space<vmem>>) attributes {dimension_semantics = [#tpu.dimension_semantics<arbitrary>], iteration_bounds = array<i64: 8>, scalar_prefetch = 0 : i64, scratch_operands = 0 : i64, tpu.core_type = #tpu.core_type<tc>, window_params = [{transform_indices = @transform_0, window_bounds = array<i64: 1280, 256>}, {pipeline_mode = #tpu.pipeline_mode<synchronous>, transform_indices = @transform_1, window_bounds = array<i64: 256, 512>}, {pipeline_mode = #tpu.pipeline_mode<synchronous>, transform_indices = @transform_2, window_bounds = array<i64: 512, 256>}, {transform_indices = @transform_3, window_bounds = array<i64: 2, 16, 1280>}, {transform_indices = @transform_4, window_bounds = array<i64: 2, 1280, 128>}, {transform_indices = @transform_5, window_bounds = array<i64: 1280, 1>}]} {
    %get3A = arith.constant 0 : index
    %get3A_0 = arith.constant 0 : index
    %get3A_1 = arith.constant 0 : index
    %get3A_2 = vector.load %arg4[%get3A, %get3A_0, %get3A_1] : memref<2x16x1280xi32, #tpu.memory_space<vmem>>, vector<1x16x1280xi32>
    %get3A_3 = vector.shape_cast %get3A_2 : vector<1x16x1280xi32> to vector<16x1280xi32>
    %convert_element_type3A = arith.sitofp %get3A_3 : vector<16x1280xi32> to vector<16x1280xf32>
    %reduce_sum3A = arith.constant dense<0.000000e+00> : vector<1280xf32>
    %reduce_sum3A_4 = vector.multi_reduction <add>, %convert_element_type3A, %reduce_sum3A [0] : vector<16x1280xf32> to vector<1280xf32>
    %max3A = arith.constant 1.000000e+00 : f32
    %max3A_5 = vector.broadcast %max3A : f32 to vector<1280xf32>
    %max3A_6 = arith.maximumf %reduce_sum3A_4, %max3A_5 : vector<1280xf32>
    %rsqrt3A = math.rsqrt %max3A_6 : vector<1280xf32>
    %get3A_7 = arith.constant 0 : index
    %get3A_8 = arith.constant 0 : index
    %get3A_9 = vector.load %arg1[%get3A_7, %get3A_8] : memref<1280x256xf32, #tpu.memory_space<vmem>>, vector<1280x256xf32>
    %broadcast_in_dim3A = vector.shape_cast %rsqrt3A : vector<1280xf32> to vector<1280x1xf32>
    %mul3A = vector.broadcast %broadcast_in_dim3A : vector<1280x1xf32> to vector<1280x256xf32>
    %mul3A_10 = arith.mulf %get3A_9, %mul3A : vector<1280x256xf32>
    %get3A_11 = arith.constant 0 : index
    %get3A_12 = arith.constant 0 : index
    %get3A_13 = vector.load %arg2[%get3A_11, %get3A_12] : memref<256x512xf32, #tpu.memory_space<vmem>>, vector<256x512xf32>
    %dot_general3A = arith.constant dense<0.000000e+00> : vector<1280x512xf32>
    %dot_general3A_14 = tpu.matmul %mul3A_10, %get3A_13, %dot_general3A {dimension_numbers = #tpu.dot_dimension_numbers<[1], [0], [0], [1], [0, 0, 1, 1], [], []>, transpose_lhs_hint = false} : vector<1280x256xf32>, vector<256x512xf32>, vector<1280x512xf32> -> vector<1280x512xf32>
    %max3A_15 = arith.constant 0.000000e+00 : f32
    %max3A_16 = vector.broadcast %max3A_15 : f32 to vector<1280x512xf32>
    %max3A_17 = arith.maximumf %dot_general3A_14, %max3A_16 : vector<1280x512xf32>
    %get3A_18 = arith.constant 0 : index
    %get3A_19 = arith.constant 0 : index
    %get3A_20 = vector.load %arg3[%get3A_18, %get3A_19] : memref<512x256xf32, #tpu.memory_space<vmem>>, vector<512x256xf32>
    %dot_general3A_21 = arith.constant dense<0.000000e+00> : vector<1280x256xf32>
    %dot_general3A_22 = tpu.matmul %max3A_17, %get3A_20, %dot_general3A_21 {dimension_numbers = #tpu.dot_dimension_numbers<[1], [0], [0], [1], [0, 0, 1, 1], [], []>, transpose_lhs_hint = false} : vector<1280x512xf32>, vector<512x256xf32>, vector<1280x256xf32> -> vector<1280x256xf32>
    %slice3A = vector.extract_strided_slice %dot_general3A_22 {offsets = [0, 0], sizes = [1280, 128], strides = [1, 1]} : vector<1280x256xf32> to vector<1280x128xf32>
    %swap3A = arith.constant 0 : index
    %swap3A_23 = arith.constant 0 : index
    %swap3A_24 = arith.constant 0 : index
    %swap3A_25 = vector.load %arg5[%swap3A, %swap3A_23, %swap3A_24] : memref<2x1280x128xf32, #tpu.memory_space<vmem>>, vector<1x1280x128xf32>
    %swap3A_26 = vector.shape_cast %swap3A_25 : vector<1x1280x128xf32> to vector<1280x128xf32>
    %swap3A_27 = vector.shape_cast %slice3A : vector<1280x128xf32> to vector<1x1280x128xf32>
    tpu.vector_store %arg5[%swap3A, %swap3A_23, %swap3A_24], %swap3A_27 {strides = array<i32>} : memref<2x1280x128xf32, #tpu.memory_space<vmem>>, vector<1x1280x128xf32>,
    %slice3A_28 = vector.extract_strided_slice %dot_general3A_22 {offsets = [0, 128], sizes = [1280, 128], strides = [1, 1]} : vector<1280x256xf32> to vector<1280x128xf32>
    %swap3A_29 = arith.constant 1 : index
    %swap3A_30 = arith.constant 0 : index
    %swap3A_31 = arith.constant 0 : index
    %swap3A_32 = vector.load %arg5[%swap3A_29, %swap3A_30, %swap3A_31] : memref<2x1280x128xf32, #tpu.memory_space<vmem>>, vector<1x1280x128xf32>
    %swap3A_33 = vector.shape_cast %swap3A_32 : vector<1x1280x128xf32> to vector<1280x128xf32>
    %swap3A_34 = vector.shape_cast %slice3A_28 : vector<1280x128xf32> to vector<1x1280x128xf32>
    tpu.vector_store %arg5[%swap3A_29, %swap3A_30, %swap3A_31], %swap3A_34 {strides = array<i32>} : memref<2x1280x128xf32, #tpu.memory_space<vmem>>, vector<1x1280x128xf32>,
    %get3A_35 = arith.constant 1 : index
    %get3A_36 = arith.constant 0 : index
    %get3A_37 = arith.constant 0 : index
    %get3A_38 = vector.load %arg4[%get3A_35, %get3A_36, %get3A_37] : memref<2x16x1280xi32, #tpu.memory_space<vmem>>, vector<1x16x1280xi32>
    %get3A_39 = vector.shape_cast %get3A_38 : vector<1x16x1280xi32> to vector<16x1280xi32>
    %convert_element_type3A_40 = arith.sitofp %get3A_39 : vector<16x1280xi32> to vector<16x1280xf32>
    %reduce_sum3A_41 = arith.constant dense<0.000000e+00> : vector<1280xf32>
    %reduce_sum3A_42 = vector.multi_reduction <add>, %convert_element_type3A_40, %reduce_sum3A_41 [0] : vector<16x1280xf32> to vector<1280xf32>
    %max3A_43 = arith.constant 1.000000e+00 : f32
    %max3A_44 = vector.broadcast %max3A_43 : f32 to vector<1280xf32>
    %max3A_45 = arith.maximumf %reduce_sum3A_42, %max3A_44 : vector<1280xf32>
    %rsqrt3A_46 = math.rsqrt %max3A_45 : vector<1280xf32>
    %broadcast_in_dim3A_47 = vector.shape_cast %rsqrt3A_46 : vector<1280xf32> to vector<1280x1xf32>
    %swap3A_48 = arith.constant 0 : index
    %swap3A_49 = arith.constant 0 : index
    %swap3A_50 = vector.load %arg6[%swap3A_48, %swap3A_49] : memref<1280x1xf32, #tpu.memory_space<vmem>>, vector<1280x1xf32>
    tpu.vector_store %arg6[%swap3A_48, %swap3A_49], %broadcast_in_dim3A_47 {strides = array<i32>} : memref<1280x1xf32, #tpu.memory_space<vmem>>, vector<1280x1xf32>,
    return
  }
  func.func @transform_0(%arg0: i32) -> (i32, i32) {
    %c0_i32 = arith.constant 0 : i32
    %c0_i32_0 = arith.constant 0 : i32
    return %arg0, %c0_i32 : i32, i32
  }
  func.func @transform_1(%arg0: i32) -> (i32, i32) {
    %c0_i32 = arith.constant 0 : i32
    %c0_i32_0 = arith.constant 0 : i32
    %c0_i32_1 = arith.constant 0 : i32
    return %c0_i32, %c0_i32_0 : i32, i32
  }
  func.func @transform_2(%arg0: i32) -> (i32, i32) {
    %c0_i32 = arith.constant 0 : i32
    %c0_i32_0 = arith.constant 0 : i32
    %c0_i32_1 = arith.constant 0 : i32
    return %c0_i32, %c0_i32_0 : i32, i32
  }
  func.func @transform_3(%arg0: i32) -> (i32, i32, i32) {
    %c0_i32 = arith.constant 0 : i32
    %c0_i32_0 = arith.constant 0 : i32
    %c0_i32_1 = arith.constant 0 : i32
    return %c0_i32, %c0_i32_0, %arg0 : i32, i32, i32
  }
  func.func @transform_4(%arg0: i32) -> (i32, i32, i32) {
    %c0_i32 = arith.constant 0 : i32
    %c0_i32_0 = arith.constant 0 : i32
    %c0_i32_1 = arith.constant 0 : i32
    return %c0_i32, %arg0, %c0_i32_0 : i32, i32, i32
  }
  func.func @transform_5(%arg0: i32) -> (i32, i32) {
    %c0_i32 = arith.constant 0 : i32
    %c0_i32_0 = arith.constant 0 : i32
    return %arg0, %c0_i32 : i32, i32
  }
}

module attributes {stable_mosaic.version = 14 : i64} {
  func.func @_post_body(%arg0: i32, %arg1: memref<2x2000x128xf32, #tpu.memory_space<vmem>>, %arg2: memref<2000x1xf32, #tpu.memory_space<vmem>>, %arg3: memref<2000x256xf32, #tpu.memory_space<vmem>>) attributes {dimension_semantics = [#tpu.dimension_semantics<arbitrary>], iteration_bounds = array<i64: 5>, scalar_prefetch = 0 : i64, scratch_operands = 0 : i64, tpu.core_type = #tpu.core_type<tc>, window_params = [{transform_indices = @transform_0, window_bounds = array<i64: 2, 2000, 128>}, {transform_indices = @transform_1, window_bounds = array<i64: 2000, 1>}, {transform_indices = @transform_2, window_bounds = array<i64: 2000, 256>}]} {
    %get3A = arith.constant 0 : index
    %get3A_0 = arith.constant 0 : index
    %get3A_1 = arith.constant 0 : index
    %get3A_2 = vector.load %arg1[%get3A, %get3A_0, %get3A_1] : memref<2x2000x128xf32, #tpu.memory_space<vmem>>, vector<1x2000x128xf32>
    %get3A_3 = vector.shape_cast %get3A_2 : vector<1x2000x128xf32> to vector<2000x128xf32>
    %get3A_4 = arith.constant 0 : index
    %get3A_5 = arith.constant 0 : index
    %get3A_6 = vector.load %arg2[%get3A_4, %get3A_5] : memref<2000x1xf32, #tpu.memory_space<vmem>>, vector<2000x1xf32>
    %mul3A = vector.broadcast %get3A_6 : vector<2000x1xf32> to vector<2000x128xf32>
    %mul3A_7 = arith.mulf %get3A_3, %mul3A : vector<2000x128xf32>
    %swap3A = arith.constant 0 : index
    %swap3A_8 = arith.constant 0 : index
    %swap3A_9 = vector.load %arg3[%swap3A, %swap3A_8] : memref<2000x256xf32, #tpu.memory_space<vmem>>, vector<2000x128xf32>
    tpu.vector_store %arg3[%swap3A, %swap3A_8], %mul3A_7 {strides = array<i32>} : memref<2000x256xf32, #tpu.memory_space<vmem>>, vector<2000x128xf32>,
    %get3A_10 = arith.constant 1 : index
    %get3A_11 = arith.constant 0 : index
    %get3A_12 = arith.constant 0 : index
    %get3A_13 = vector.load %arg1[%get3A_10, %get3A_11, %get3A_12] : memref<2x2000x128xf32, #tpu.memory_space<vmem>>, vector<1x2000x128xf32>
    %get3A_14 = vector.shape_cast %get3A_13 : vector<1x2000x128xf32> to vector<2000x128xf32>
    %get3A_15 = arith.constant 0 : index
    %get3A_16 = arith.constant 0 : index
    %get3A_17 = vector.load %arg2[%get3A_15, %get3A_16] : memref<2000x1xf32, #tpu.memory_space<vmem>>, vector<2000x1xf32>
    %mul3A_18 = vector.broadcast %get3A_17 : vector<2000x1xf32> to vector<2000x128xf32>
    %mul3A_19 = arith.mulf %get3A_14, %mul3A_18 : vector<2000x128xf32>
    %swap3A_20 = arith.constant 0 : index
    %swap3A_21 = arith.constant 128 : index
    %swap3A_22 = vector.load %arg3[%swap3A_20, %swap3A_21] : memref<2000x256xf32, #tpu.memory_space<vmem>>, vector<2000x128xf32>
    tpu.vector_store %arg3[%swap3A_20, %swap3A_21], %mul3A_19 {strides = array<i32>} : memref<2000x256xf32, #tpu.memory_space<vmem>>, vector<2000x128xf32>,
    return
  }
  func.func @transform_0(%arg0: i32) -> (i32, i32, i32) {
    %c0_i32 = arith.constant 0 : i32
    %c0_i32_0 = arith.constant 0 : i32
    %c0_i32_1 = arith.constant 0 : i32
    return %c0_i32, %arg0, %c0_i32_0 : i32, i32, i32
  }
  func.func @transform_1(%arg0: i32) -> (i32, i32) {
    %c0_i32 = arith.constant 0 : i32
    %c0_i32_0 = arith.constant 0 : i32
    return %arg0, %c0_i32 : i32, i32
  }
  func.func @transform_2(%arg0: i32) -> (i32, i32) {
    %c0_i32 = arith.constant 0 : i32
    %c0_i32_0 = arith.constant 0 : i32
    return %arg0, %c0_i32 : i32, i32
  }
}

</mosaic_0001>

<sc_bundles>
// kernel: kernel.6.cloned.1.call-start
scs
__scs_entry_jumppad:
0x0: {  	(pc) =	sbr.rel $0x88, $3  }
0x1: {  	(tag) =	ssettag $0x0;
	lr =	simm.s32 $0x1  }
0x2: {  	[smem:$0x3F9D] =	sst lr;
	_ =	strace $0xD0000000  }
0x3: {  	_ = 	snop  }
0x4: {  	_ = 	snop  }
0x5: {  	_ = 	snop  }
0x6: {  	_ = 	snop  }
0x7: {  	_ = 	snop  }
__scs_overlays_trampoline_lowered:
0x8: {  	[smem:$0x3FAC] =	sst s0  }
0x9: {  	[smem:$0x3FAD] =	sst s1  }
0xa: {  	[smem:$0x3FAE] =	sst s2  }
0xb: {  	[smem:$0x3FAF] =	sst s3  }
0xc: {  	[smem:$0x3FB0] =	sst s4  }
0xd: {  	[smem:$0x3FB1] =	sst s5  }
0xe: {  	[smem:$0x3FB2] =	sst s6  }
0xf: {  	[smem:$0x3FB3] =	sst s7  }
0x10: {  	[smem:$0x3FB4] =	sst s8  }
0x11: {  	[smem:$0x3FB5] =	sst s9;
	s0 =	simm.s32 @!p0 $0x0  }
0x12: {  	s1 =	sld [smem:$0x3F9B];
	s0 =	simm.s32 @p0 $0x1  }
0x13: {  	[smem:$0x3FB6] =	sst s0;
	s0 =	simm.s32 @!p1 $0x0  }
0x14: {  	s2 =	sld [smem:$0x3F9A];
	s0 =	simm.s32 @p1 $0x1  }
0x15: {  	[smem:$0x3FB7] =	sst s0;
	s0 =	simm.s32 @!p2 $0x0  }
0x16: {  	s3 =	sld [smem:$0x3FDB];
	s0 =	simm.s32 @p2 $0x1  }
0x17: {  	s4 =	simm.s32 $0x1BF5;
	[smem:$0x3FB9] =	sst s0  }
0x18: {  	s0 =	sld [smem:$0x3F9C];
	_ =	swait.ge [sflag:s4], $0x0  }
0x19: {  	s7 =	sld [smem:$0x3F9D]  }
0x1a: {  	s8 =	sadd.s32 $0xFFFFE003, lr  }
0x1b: {  	s9 =	sadd.s32 $0xFFFFFEF7, lr;
	s5 =	simm.s32 $0xFFFFFFFF;
	p2 =	slt.u32 s8, $0xFFFFF086  }
0x1c: {  	p1 =	slt.u32 s9, $0xF7A;
	s5 =	simm.s32 @!p2 $0x0  }
0x1d: {  	s5 =	simm.s32 @p1 $0x1;
	p0 =	seq.s32 s7, s2  }
0x1e: {  	s7 =	smul.u32 @!p0 $0xF7A, s2;
	p2 =	seq.s32 @!p0 s5, $0x0  }
0x1f: {  	s9 =	smul.u32 $0xF7A, s1;
	s8 =	simm.s32 @!p0 $0x1BF5;
	p2 =	por !p2, p0  }
0x20: {  	[sflag:s8] =	ssyncset.s32 @!p0 $0xFFFFF086;
	s6 =	sadd.s32 @!p0 s3, s7;
	s7 =	simm.s32 @!p0 $0x108  }
0x21: {  	s3 =	sadd.s32 s3, s9;
	s6 =	sadd.s32 @!p0 $0x88, s6;
	s7 =	simm.s32 @p2 $0x1082  }
0x22: {  	[simem:s7], [sflag:s8] =	dma.local @!p0 [hbm:s6], $0xF7A  }
0x23: {  	s9 =	sor.u32 $0xD0000000, s2;
	s6 =	simm.s32 $0x108;
	_ =	swait.ge @!p0 [sflag:s8], $0x0  }
0x24: {  	s3 =	sadd.s32 $0x88, s3;
	s6 =	simm.s32 @!p1 $0x1082;
	[sflag:s4] =	ssyncset.s32 $0xFFFFF086  }
0x25: {  	[simem:s6], [sflag:s4] =	dma.local [hbm:s3], $0xF7A  }
0x26: {  	[smem:$0x3F9D] =	sst s1;
	(tag) =	ssettag s2;
	_ =	strace s9  }
0x27: {  	s1 =	sld [smem:$0x3FAD]  }
0x28: {  	s2 =	sld [smem:$0x3FAE]  }
0x29: {  	s4 =	sld [smem:$0x3FB0]  }
0x2a: {  	p0 =	seq.s32 s5, $0x0;
	s5 =	sld [smem:$0x3FB1]  }
0x2b: {  	s6 =	sld [smem:$0x3FB2]  }
0x2c: {  	s7 =	sld [smem:$0x3FB3]  }
0x2d: {  	s3 =	simm.s32 $0x108;
	s8 =	sld [smem:$0x3FB4]  }
0x2e: {  	s3 =	simm.s32 @!p0 $0x1082;
	s9 =	sld [smem:$0x3FB5]  }
0x2f: {  	lr =	sadd.s32 s0, s3;
	s0 =	sld [smem:$0x3FAC]  }
0x30: {  	s3 =	sld [smem:$0x3FAF]  }
0x31: {  	[smem:$0x3FB8] =	sst s10  }
0x32: {  	s10 =	sld [smem:$0x3FB6];
	_ =	sdelay $0x3  }
0x33: {  	p0 =	seq.s32 s10, $0x1;
	s10 =	sld [smem:$0x3FB8];
	_ =	sdelay $0x3  }
0x34: {  	[smem:$0x3FB8] =	sst s10  }
0x35: {  	s10 =	sld [smem:$0x3FB7];
	_ =	sdelay $0x3  }
0x36: {  	p1 =	seq.s32 s10, $0x1;
	s10 =	sld [smem:$0x3FB8];
	_ =	sdelay $0x3  }
0x37: {  	[smem:$0x3FB8] =	sst s10  }
0x38: {  	s10 =	sld [smem:$0x3FB9]  }
0x39: {  	_ = 	snop;
	(pc) =	sbr.ind lr, $3  }
0x3a: {  	_ = 	snop  }
0x3b: {  	_ = 	snop  }
0x3c: {  	p2 =	seq.s32 s10, $0x1;
	s10 =	sld [smem:$0x3FB8]  }
0x3d: {  	_ =	shalt  }
0x3e: {  	_ =	shalt  }
0x3f: {  	_ =	shalt  }
0x40: {  	_ =	shalt  }
0x41: {  	_ =	shalt  }
0x42: {  	_ =	shalt  }
0x43: {  	_ =	shalt  }
0x44: {  	_ =	shalt  }
0x45: {  	_ =	shalt  }
0x46: {  	_ =	shalt  }
0x47: {  	_ =	shalt  }
0x48: {  	_ =	shalt  }
0x49: {  	_ =	shalt  }
0x4a: {  	_ =	shalt  }
0x4b: {  	_ =	shalt  }
0x4c: {  	_ =	shalt  }
0x4d: {  	_ =	shalt  }
0x4e: {  	_ =	shalt  }
0x4f: {  	_ =	shalt  }
0x50: {  	_ =	shalt  }
0x51: {  	_ =	shalt  }
0x52: {  	_ =	shalt  }
0x53: {  	_ =	shalt  }
0x54: {  	_ =	shalt  }
0x55: {  	_ =	shalt  }
0x56: {  	_ =	shalt  }
0x57: {  	_ =	shalt  }
0x58: {  	_ =	shalt  }
0x59: {  	_ =	shalt  }
0x5a: {  	_ =	shalt  }
0x5b: {  	_ =	shalt  }
0x5c: {  	_ =	shalt  }
0x5d: {  	_ =	shalt  }
0x5e: {  	_ =	shalt  }
0x5f: {  	_ =	shalt  }
0x60: {  	_ =	shalt  }
0x61: {  	_ =	shalt  }
0x62: {  	_ =	shalt  }
0x63: {  	_ =	shalt  }
0x64: {  	_ =	shalt  }
0x65: {  	_ =	shalt  }
0x66: {  	_ =	shalt  }
0x67: {  	_ =	shalt  }
0x68: {  	_ =	shalt  }
0x69: {  	_ =	shalt  }
0x6a: {  	_ =	shalt  }
0x6b: {  	_ =	shalt  }
0x6c: {  	_ =	shalt  }
0x6d: {  	_ =	shalt  }
0x6e: {  	_ =	shalt  }
0x6f: {  	_ =	shalt  }
0x70: {  	_ =	shalt  }
0x71: {  	_ =	shalt  }
0x72: {  	_ =	shalt  }
0x73: {  	_ =	shalt  }
0x74: {  	_ =	shalt  }
0x75: {  	_ =	shalt  }
0x76: {  	_ =	shalt  }
0x77: {  	_ =	shalt  }
0x78: {  	_ =	shalt  }
0x79: {  	_ =	shalt  }
0x7a: {  	_ =	shalt  }
0x7b: {  	_ =	shalt  }
0x7c: {  	_ =	shalt  }
0x7d: {  	_ =	shalt  }
0x7e: {  	_ =	shalt  }
0x7f: {  	_ =	shalt  }
0x80: {  	_ =	shalt  }
0x81: {  	_ =	shalt  }
0x82: {  	_ =	shalt  }
0x83: {  	_ =	shalt  }
0x84: {  	_ =	shalt  }
0x85: {  	_ =	shalt  }
0x86: {  	_ =	shalt  }
0x87: {  	_ =	shalt  }
.Lfunc_end0:
.L_simem_size_0:
called_computation_lowered:
.L_overlay_start_0:
0x88: {  	s2 =	sld [smem:$0x3FD9]  }
0x89: {  	s3 =	sld [smem:$0x3FFE];
	_ =	sdelay $0x1  }
0x8a: {  	s1 =	srdreg.scid  }
0x8b: {  	s0 =	sand.u32 $0x1, s1  }
0x8c: {  	s17 =	sshll.u32 s0, $0xA;
	s2 =	sadd.s32 s3, s2  }
0x8d: {  	s2 =	sadd.s32 s2, s17  }
0x8e: {  	[smem:$0x3FC4] =	sst s2  }
0x8f: {  	_ = 	snop  }
0x90: {  	s2 =	sld [smem:$0x3FD0];
	(tm) =	ssettm $0x1  }
0x91: {  	s18 =	sld [smem:$0x3FFB];
	_ =	sdelay $0x3  }
0x92: {  	_ =	strace s18  }
0x93: {  	s3 =	sld [smem:$0x3FFC];
	_ =	sdelay $0x3  }
0x94: {  	_ =	strace s3  }
0x95: {  	s3 =	sld [smem:$0x3FFD];
	_ =	sdelay $0x3  }
0x96: {  	_ =	strace s3  }
0x97: {  	_ =	strace $0x8FFFFFFF  }
0x98: {  	s19 =	sld [smem:$0x3FDB];
	_ =	sdelay $0x1  }
0x99: {  	s4 =	simm.s32 $_scs_section_size  }
0x9a: {  	s5 =	simm.s32 $_size__tile_overlayer_lowered;
	s6 =	simm.s32 $_tile_overlayer_lowered  }
0x9b: {  	s22 =	simm.s32 $0x1BFF;
	s21 =	sshll.u32 s6, $0x1;
	s3 =	sadd.s32 s4, s19  }
0x9c: {  	s7 =	simm.s32 $0x0;
	s20 =	sshll.u32 s5, $0x1;
	s5 =	sadd.s32 s21, s3  }
0x9d: {  	[timem:s7], [sflag:s22] =	dma.local [hbm:s5], s20  }
0x9e: {  	_ =	swait.ge [sflag:s22], s20  }
0x9f: {  	s4 =	ssub.s32 $0x0, s20;
	[sflag:s22] =	ssyncset.done $0x0  }
0xa0: {  	[sflag:s22] =	ssyncadd.s32 s4;
	_ =	sdelay $0x1  }
0xa1: {  	s23 =	simm.s32 $0x1B8B  }
0xa2: {  	_ =	swait.ge [sflag:s23], $0x1  }
0xa3: {  	[sflag:s23] =	ssyncset.done $0x0  }
0xa4: {  	s25 =	simm.s32 $0x1B8E;
	s24 =	sld [smem:$0x3FFE];
	[sflag:s23] =	ssyncadd.s32 $0xFFFFFFFF  }
0xa5: {  	s26 =	simm.s32 $execute0_lowered;
	[smem:$0x3FD2] =	sst s25  }
0xa6: {  	s5 =	sshll.u32 s26, $0x1;
	_ =	strace $0x80000046;
	[dreg:$0x1] =	wrdreg $0xFFFFFFFF  }
0xa7: {  	s28 =	simm.s32 $_size_execute0_lowered;
	s3 =	sadd.s32 s3, s5;
	[dreg:$0x0] =	wrdreg $0x0  }
0xa8: {  	s5 =	sshll.u32 s28, $0x1;
	[dreg:$0x2] =	wrdreg s3  }
0xa9: {  	[dreg:$0x3] =	wrdreg s5  }
0xaa: {  	[dreg:$0x4] =	wrdreg $0xC0  }
0xab: {  	_ =	task [dreg:s7], $0x5FFFF  }
0xac: {  	[dreg:$0x1] =	wrdreg $0xFFFFFFFF  }
0xad: {  	[dreg:$0x0] =	wrdreg $0x60  }
0xae: {  	[dreg:$0x2] =	wrdreg s24  }
0xaf: {  	[dreg:$0x3] =	wrdreg s2  }
0xb0: {  	[dreg:$0x4] =	wrdreg $0x9  }
0xb1: {  	_ =	task.clear_ibuf [dreg:s7], $0x5FFFF;
	_ =	strace $0x90000046  }
0xb2: {  	s29 =	simm.s32 $0x9;
	_ =	strace $0x80000048  }
0xb3: {  	_ =	swait.ge [sflag:s29], $0x1  }
0xb4: {  	[sflag:s29] =	ssyncadd.s32 $0xFFFFFFFF  }
0xb5: {  	_ =	strace $0x90000048  }
0xb6: {  	_ =	sfence  }
0xb7: {  	s30 =	sld [smem:$0x0];
	_ =	sdelay $0x2  }
0xb8: {  	s31 =	sshll.u32 s1, $0xD;
	s1 =	sshrl.u32 s1, $0x2  }
0xb9: {  	s3 =	sand.u32 $0x4000, s31;
	s1 =	sadd.s32 s1, s30  }
0xba: {  	s0 =	sor.u32 s3, s0;
	s1 =	sshll.u32 s1, $0x11  }
0xbb: {  	s0 =	sor.u32 s1, s0  }
0xbc: {  	s0 =	sadd.s32 $0x8F2B, s0  }
0xbd: {  	[sflag:s0] =	ssyncadd.remote.s32 $0x1  }
0xbe: {  	_ =	sfence.sel $0xFFFF  }
0xbf: {  	[dreg:$0x0] =	wrdreg $0xFFFFFFFF;
	(pc) =	sbr.abs _section_cstart, $3  }
0xc0: {  	[dreg:$0x1] =	wrdreg $0xFFFFFFFF  }
0xc1: {  	_ =	task.clear_ibuf [dreg:s7], $0x2FFFF;
	_ =	strace $0x9FFFFFFF  }
0xc2: {  	(tm) =	ssettm $0x7FFFFFFF  }
0xc3: {  	_ =	shalt  }
tec
execute0_lowered:
.L_overlay_start_1:
0x0: {  	(tag) =	ssettag $0x1  }
0x1: {  	s1 =	srdreg.scid  }
0x2: {  	s0 =	stileid.u32;
	s4 =	rddreg [dreg:$0x0];
	s3 =	sand.u32 $0x1, s1  }
0x3: {  	s7 =	rddreg [dreg:$0x1];
	s5 =	sshrl.u32 s0, $0x3;
	s6 =	smul.u32 $0x27800, s3  }
0x4: {  	s2 =	simm.s32 $0x0;
	s1 =	rddreg [dreg:$0x2];
	s8 =	smul.u32 $0x13C00, s5  }
0x5: {  	s10 =	sshll.u32 s0, $0x7;
	[smem:$0x7FF] =	sst s2;
	s9 =	smul.u32 $0x28000, s3  }
0x6: {  	s5 =	smul.u32 $0x14000, s5;
	s10 =	sand.u32 $0x380, s10;
	s3 =	ssub.s32 $0x2, s3  }
0x7: {  	_ =	strace $0x80000047;
	s31 =	sshrl.u32 s3, $0x1;
	s6 =	sadd.s32 s6, s8  }
0x8: {  	s5 =	sadd.s32 s9, s5;
	s8 =	simm.s32 $0x1;
	s6 =	sor.u32 s10, s6  }
0x9: {  	s9 =	simm.s32 $0x2780;
	s5 =	sor.u32 s10, s5;
	s6 =	sshrl.u32 s6, $0x3  }
0xa: {  	s10 =	simm.s32 $0x0;
	s5 =	sshrl.u32 s5, $0x3;
	s4 =	sadd.s32 s6, s4  }
0xb: {  	s6 =	ssub.s32 s3, s31;
	s3 =	sadd.s32 $0x1000, s4;
	s4 =	sadd.s32 s7, s5  }
0xc: {  	v0 =	vimm.s32 $0x0;
	v1 =	vimm.s32 $0x1;
	s5 =	smax.u32 s6, $0x1;
	s6 =	simm.s32 $0x80;
	s7 =	simm.s32 $0x400  }
.LBB2_1:
0xd: {  	[tilespmem:s2], [sflag:$0x1] =	stream.strided.gather [hbm4b:s3+s6], $0x2780, s7, s6, $0x38;
	[tilespmem:$0x4F80] =	vst v63  }
0xe: {  	_ =	swait.ge [sflag:s8], $0x2780  }
0xf: {  	[sflag:s8] =	ssyncset.done $0x0  }
0x10: {  	s11 =	simm.s32 $0x0;
	[sflag:s8] =	ssyncadd.s32 $0xFFFFD880  }
.LBB2_2:
0x11: {  	p0 =	sne.s32 s11, $0x9FC0  }
.Ltmp0:
0x12: {  	_ = 	snop;
	(pc) =	sbr.rel @p0 .LBB2_2-.Ltmp0, $3  }
0x13: {  	_ =	sdelay $0x1  }
0x14: {  	s12 =	sshra.s32 s11, $0x2  }
0x15: {  	s11 =	sadd.s32 $0x40, s11;
	[tilespmem:s12+$0x2780] =	vst v0  }
0x16: {  	s12 =	simm.s32 $0x0;
	s11 =	simm.s32 $0x40  }
.LBB2_4:
0x17: {  	p0 =	sne.s32 s11, $0x9C00;
	v2 =	vld [tilespmem:s12+$0x0];
	_ =	sdelay $0x3  }
.Ltmp1:
0x18: {  	(pc) =	sbr.rel @p0 .LBB2_4-.Ltmp1, $2  }
0x19: {  	_ =	sdelay $0x2  }
0x1a: {  	s12 =	sshra.s32 s11, $0x2;
	s11 =	sadd.s32 $0x40, s11;
	[tilespmem:v2+s9+$0x0] =	vst.idx.add.s32.msk $0xffff, v1  }
0x1b: {  	v2 =	vld [tilespmem:s12+$0x0];
	_ =	sdelay $0x5  }
0x1c: {  	s10 =	sadd.s32 $0x1, s10  }
0x1d: {  	p0 =	sne.s32 s10, s5  }
.Ltmp2:
0x1e: {  	[tilespmem:v2+s9+$0x0] =	vst.idx.add.s32.msk $0xffff, v1;
	(pc) =	sbr.rel @p0 .LBB2_1-.Ltmp2, $4  }
0x1f: {  	[hbm4b:s4+s6] =	stream.strided.scatter [tilespmem:s9], [sflag:$0x1], $0x2800, s7, s6, $0x38;
	[tilespmem:$0x4F80] =	vst v63  }
0x20: {  	_ =	swait.ge [sflag:s8], $0x2800  }
0x21: {  	[sflag:s8] =	ssyncset.done $0x0  }
0x22: {  	[sflag:s8] =	ssyncadd.s32 $0xFFFFD800  }
0x23: {  	_ =	sfence.sel $0x180000  }
0x24: {  	[bflag:$0x0] =	sbarrier.arrive $0xFFFF  }
0x25: {  	p0 =	sne.s32 s0, $0x0;
	_ =	strace $0x90000047  }
0x26: {  	s0 =	sadd.s32 @!p0 $0x100000, s1;
	[bflag:$0x2] =	sbarrier.arrive $0xFFFF  }
0x27: {  	[sflag:s0] =	ssyncadd.tile.s32 @!p0 $0x1;
	_ =	shalt  }
.Lfunc_end2:
_tile_overlayer_lowered:
.L_overlay_start_2:
0x28: {  	(tag) =	ssettag $0x2  }
0x29: {  	s0 =	rddreg [dreg:$0x0];
	s2 =	stileid.u32  }
0x2a: {  	s1 =	rddreg [dreg:$0x1];
	p0 =	sne.s32 s2, $0x0  }
0x2b: {  	s3 =	rddreg [dreg:$0x2];
	[bflag:$0x3] =	sbarrier.arrive $0xFFFF;
	s2 =	simm.s32 @!p0 $0x1C01  }
0x2c: {  	[timem:s3], [sflag:s2] =	dma.local @!p0 [hbm:s0], s1  }
0x2d: {  	s0 =	simm.s32 @!p0 $0x1  }
0x2e: {  	_ =	swait.ge @!p0 [sflag:s0], s1  }
0x2f: {  	s1 =	ssub.s32 @!p0 $0x0, s1;
	[sflag:s0] =	ssyncset.done @!p0 $0x0  }
0x30: {  	[sflag:s0] =	ssyncadd.s32 @!p0 s1  }
0x31: {  	[bflag:$0x3] =	sbarrier.arrive $0xFFFF  }
0x32: {  	_ =	shalt  }

// kernel: kernel.9.cloned.1.call-start
scs
__scs_entry_jumppad:
0x0: {  	(pc) =	sbr.rel $0x88, $3  }
0x1: {  	(tag) =	ssettag $0x0;
	lr =	simm.s32 $0x1  }
0x2: {  	[smem:$0x3F9D] =	sst lr;
	_ =	strace $0xD0000000  }
0x3: {  	_ = 	snop  }
0x4: {  	_ = 	snop  }
0x5: {  	_ = 	snop  }
0x6: {  	_ = 	snop  }
0x7: {  	_ = 	snop  }
__scs_overlays_trampoline_lowered:
0x8: {  	[smem:$0x3FAC] =	sst s0  }
0x9: {  	[smem:$0x3FAD] =	sst s1  }
0xa: {  	[smem:$0x3FAE] =	sst s2  }
0xb: {  	[smem:$0x3FAF] =	sst s3  }
0xc: {  	[smem:$0x3FB0] =	sst s4  }
0xd: {  	[smem:$0x3FB1] =	sst s5  }
0xe: {  	[smem:$0x3FB2] =	sst s6  }
0xf: {  	[smem:$0x3FB3] =	sst s7  }
0x10: {  	[smem:$0x3FB4] =	sst s8  }
0x11: {  	[smem:$0x3FB5] =	sst s9;
	s0 =	simm.s32 @!p0 $0x0  }
0x12: {  	s1 =	sld [smem:$0x3F9B];
	s0 =	simm.s32 @p0 $0x1  }
0x13: {  	[smem:$0x3FB6] =	sst s0;
	s0 =	simm.s32 @!p1 $0x0  }
0x14: {  	s2 =	sld [smem:$0x3F9A];
	s0 =	simm.s32 @p1 $0x1  }
0x15: {  	[smem:$0x3FB7] =	sst s0;
	s0 =	simm.s32 @!p2 $0x0  }
0x16: {  	s3 =	sld [smem:$0x3FDB];
	s0 =	simm.s32 @p2 $0x1  }
0x17: {  	s4 =	simm.s32 $0x1BF5;
	[smem:$0x3FB9] =	sst s0  }
0x18: {  	s0 =	sld [smem:$0x3F9C];
	_ =	swait.ge [sflag:s4], $0x0  }
0x19: {  	s7 =	sld [smem:$0x3F9D]  }
0x1a: {  	s8 =	sadd.s32 $0xFFFFE003, lr  }
0x1b: {  	s9 =	sadd.s32 $0xFFFFFEF7, lr;
	s5 =	simm.s32 $0xFFFFFFFF;
	p2 =	slt.u32 s8, $0xFFFFF086  }
0x1c: {  	p1 =	slt.u32 s9, $0xF7A;
	s5 =	simm.s32 @!p2 $0x0  }
0x1d: {  	s5 =	simm.s32 @p1 $0x1;
	p0 =	seq.s32 s7, s2  }
0x1e: {  	s7 =	smul.u32 @!p0 $0xF7A, s2;
	p2 =	seq.s32 @!p0 s5, $0x0  }
0x1f: {  	s9 =	smul.u32 $0xF7A, s1;
	s8 =	simm.s32 @!p0 $0x1BF5;
	p2 =	por !p2, p0  }
0x20: {  	[sflag:s8] =	ssyncset.s32 @!p0 $0xFFFFF086;
	s6 =	sadd.s32 @!p0 s3, s7;
	s7 =	simm.s32 @!p0 $0x108  }
0x21: {  	s3 =	sadd.s32 s3, s9;
	s6 =	sadd.s32 @!p0 $0x88, s6;
	s7 =	simm.s32 @p2 $0x1082  }
0x22: {  	[simem:s7], [sflag:s8] =	dma.local @!p0 [hbm:s6], $0xF7A  }
0x23: {  	s9 =	sor.u32 $0xD0000000, s2;
	s6 =	simm.s32 $0x108;
	_ =	swait.ge @!p0 [sflag:s8], $0x0  }
0x24: {  	s3 =	sadd.s32 $0x88, s3;
	s6 =	simm.s32 @!p1 $0x1082;
	[sflag:s4] =	ssyncset.s32 $0xFFFFF086  }
0x25: {  	[simem:s6], [sflag:s4] =	dma.local [hbm:s3], $0xF7A  }
0x26: {  	[smem:$0x3F9D] =	sst s1;
	(tag) =	ssettag s2;
	_ =	strace s9  }
0x27: {  	s1 =	sld [smem:$0x3FAD]  }
0x28: {  	s2 =	sld [smem:$0x3FAE]  }
0x29: {  	s4 =	sld [smem:$0x3FB0]  }
0x2a: {  	p0 =	seq.s32 s5, $0x0;
	s5 =	sld [smem:$0x3FB1]  }
0x2b: {  	s6 =	sld [smem:$0x3FB2]  }
0x2c: {  	s7 =	sld [smem:$0x3FB3]  }
0x2d: {  	s3 =	simm.s32 $0x108;
	s8 =	sld [smem:$0x3FB4]  }
0x2e: {  	s3 =	simm.s32 @!p0 $0x1082;
	s9 =	sld [smem:$0x3FB5]  }
0x2f: {  	lr =	sadd.s32 s0, s3;
	s0 =	sld [smem:$0x3FAC]  }
0x30: {  	s3 =	sld [smem:$0x3FAF]  }
0x31: {  	[smem:$0x3FB8] =	sst s10  }
0x32: {  	s10 =	sld [smem:$0x3FB6];
	_ =	sdelay $0x3  }
0x33: {  	p0 =	seq.s32 s10, $0x1;
	s10 =	sld [smem:$0x3FB8];
	_ =	sdelay $0x3  }
0x34: {  	[smem:$0x3FB8] =	sst s10  }
0x35: {  	s10 =	sld [smem:$0x3FB7];
	_ =	sdelay $0x3  }
0x36: {  	p1 =	seq.s32 s10, $0x1;
	s10 =	sld [smem:$0x3FB8];
	_ =	sdelay $0x3  }
0x37: {  	[smem:$0x3FB8] =	sst s10  }
0x38: {  	s10 =	sld [smem:$0x3FB9]  }
0x39: {  	_ = 	snop;
	(pc) =	sbr.ind lr, $3  }
0x3a: {  	_ = 	snop  }
0x3b: {  	_ = 	snop  }
0x3c: {  	p2 =	seq.s32 s10, $0x1;
	s10 =	sld [smem:$0x3FB8]  }
0x3d: {  	_ =	shalt  }
0x3e: {  	_ =	shalt  }
0x3f: {  	_ =	shalt  }
0x40: {  	_ =	shalt  }
0x41: {  	_ =	shalt  }
0x42: {  	_ =	shalt  }
0x43: {  	_ =	shalt  }
0x44: {  	_ =	shalt  }
0x45: {  	_ =	shalt  }
0x46: {  	_ =	shalt  }
0x47: {  	_ =	shalt  }
0x48: {  	_ =	shalt  }
0x49: {  	_ =	shalt  }
0x4a: {  	_ =	shalt  }
0x4b: {  	_ =	shalt  }
0x4c: {  	_ =	shalt  }
0x4d: {  	_ =	shalt  }
0x4e: {  	_ =	shalt  }
0x4f: {  	_ =	shalt  }
0x50: {  	_ =	shalt  }
0x51: {  	_ =	shalt  }
0x52: {  	_ =	shalt  }
0x53: {  	_ =	shalt  }
0x54: {  	_ =	shalt  }
0x55: {  	_ =	shalt  }
0x56: {  	_ =	shalt  }
0x57: {  	_ =	shalt  }
0x58: {  	_ =	shalt  }
0x59: {  	_ =	shalt  }
0x5a: {  	_ =	shalt  }
0x5b: {  	_ =	shalt  }
0x5c: {  	_ =	shalt  }
0x5d: {  	_ =	shalt  }
0x5e: {  	_ =	shalt  }
0x5f: {  	_ =	shalt  }
0x60: {  	_ =	shalt  }
0x61: {  	_ =	shalt  }
0x62: {  	_ =	shalt  }
0x63: {  	_ =	shalt  }
0x64: {  	_ =	shalt  }
0x65: {  	_ =	shalt  }
0x66: {  	_ =	shalt  }
0x67: {  	_ =	shalt  }
0x68: {  	_ =	shalt  }
0x69: {  	_ =	shalt  }
0x6a: {  	_ =	shalt  }
0x6b: {  	_ =	shalt  }
0x6c: {  	_ =	shalt  }
0x6d: {  	_ =	shalt  }
0x6e: {  	_ =	shalt  }
0x6f: {  	_ =	shalt  }
0x70: {  	_ =	shalt  }
0x71: {  	_ =	shalt  }
0x72: {  	_ =	shalt  }
0x73: {  	_ =	shalt  }
0x74: {  	_ =	shalt  }
0x75: {  	_ =	shalt  }
0x76: {  	_ =	shalt  }
0x77: {  	_ =	shalt  }
0x78: {  	_ =	shalt  }
0x79: {  	_ =	shalt  }
0x7a: {  	_ =	shalt  }
0x7b: {  	_ =	shalt  }
0x7c: {  	_ =	shalt  }
0x7d: {  	_ =	shalt  }
0x7e: {  	_ =	shalt  }
0x7f: {  	_ =	shalt  }
0x80: {  	_ =	shalt  }
0x81: {  	_ =	shalt  }
0x82: {  	_ =	shalt  }
0x83: {  	_ =	shalt  }
0x84: {  	_ =	shalt  }
0x85: {  	_ =	shalt  }
0x86: {  	_ =	shalt  }
0x87: {  	_ =	shalt  }
.Lfunc_end0:
.L_simem_size_0:
called_computation.1_lowered:
.L_overlay_start_0:
0x88: {  	s2 =	sld [smem:$0x3FD9]  }
0x89: {  	s3 =	sld [smem:$0x3FFE];
	_ =	sdelay $0x1  }
0x8a: {  	s1 =	srdreg.scid  }
0x8b: {  	s0 =	sand.u32 $0x1, s1  }
0x8c: {  	s17 =	sshll.u32 s0, $0xA;
	s2 =	sadd.s32 s3, s2  }
0x8d: {  	s2 =	sadd.s32 s2, s17  }
0x8e: {  	[smem:$0x3FC4] =	sst s2  }
0x8f: {  	_ = 	snop  }
0x90: {  	s2 =	sld [smem:$0x3FD0];
	(tm) =	ssettm $0x1  }
0x91: {  	s18 =	sld [smem:$0x3FFB];
	_ =	sdelay $0x3  }
0x92: {  	_ =	strace s18  }
0x93: {  	s3 =	sld [smem:$0x3FFC];
	_ =	sdelay $0x3  }
0x94: {  	_ =	strace s3  }
0x95: {  	s3 =	sld [smem:$0x3FFD];
	_ =	sdelay $0x3  }
0x96: {  	_ =	strace s3  }
0x97: {  	_ =	strace $0x8FFFFFFF  }
0x98: {  	s19 =	sld [smem:$0x3FDB];
	_ =	sdelay $0x1  }
0x99: {  	s4 =	simm.s32 $_scs_section_size  }
0x9a: {  	s5 =	simm.s32 $_size__tile_overlayer_lowered;
	s6 =	simm.s32 $_tile_overlayer_lowered  }
0x9b: {  	s22 =	simm.s32 $0x1BFF;
	s21 =	sshll.u32 s6, $0x1;
	s3 =	sadd.s32 s4, s19  }
0x9c: {  	s7 =	simm.s32 $0x0;
	s20 =	sshll.u32 s5, $0x1;
	s5 =	sadd.s32 s21, s3  }
0x9d: {  	[timem:s7], [sflag:s22] =	dma.local [hbm:s5], s20  }
0x9e: {  	_ =	swait.ge [sflag:s22], s20  }
0x9f: {  	s4 =	ssub.s32 $0x0, s20;
	[sflag:s22] =	ssyncset.done $0x0  }
0xa0: {  	[sflag:s22] =	ssyncadd.s32 s4;
	_ =	sdelay $0x1  }
0xa1: {  	s23 =	simm.s32 $0x1B8B  }
0xa2: {  	_ =	swait.ge [sflag:s23], $0x1  }
0xa3: {  	[sflag:s23] =	ssyncset.done $0x0  }
0xa4: {  	s25 =	simm.s32 $0x1B8E;
	s24 =	sld [smem:$0x3FFE];
	[sflag:s23] =	ssyncadd.s32 $0xFFFFFFFF  }
0xa5: {  	s26 =	simm.s32 $execute0_lowered;
	[smem:$0x3FD2] =	sst s25  }
0xa6: {  	s5 =	sshll.u32 s26, $0x1;
	_ =	strace $0x80000049;
	[dreg:$0x1] =	wrdreg $0xFFFFFFFF  }
0xa7: {  	s28 =	simm.s32 $_size_execute0_lowered;
	s3 =	sadd.s32 s3, s5;
	[dreg:$0x0] =	wrdreg $0x0  }
0xa8: {  	s5 =	sshll.u32 s28, $0x1;
	[dreg:$0x2] =	wrdreg s3  }
0xa9: {  	[dreg:$0x3] =	wrdreg s5  }
0xaa: {  	[dreg:$0x4] =	wrdreg $0xC0  }
0xab: {  	_ =	task [dreg:s7], $0x5FFFF  }
0xac: {  	[dreg:$0x1] =	wrdreg $0xFFFFFFFF  }
0xad: {  	[dreg:$0x0] =	wrdreg $0x60  }
0xae: {  	[dreg:$0x2] =	wrdreg s24  }
0xaf: {  	[dreg:$0x3] =	wrdreg s2  }
0xb0: {  	[dreg:$0x4] =	wrdreg $0xA8000  }
0xb1: {  	[dreg:$0x5] =	wrdreg $0x9  }
0xb2: {  	_ =	task.clear_ibuf [dreg:s7], $0x6FFFF;
	_ =	strace $0x90000049  }
0xb3: {  	s29 =	simm.s32 $0x9;
	_ =	strace $0x8000004B  }
0xb4: {  	_ =	swait.ge [sflag:s29], $0x1  }
0xb5: {  	[sflag:s29] =	ssyncadd.s32 $0xFFFFFFFF  }
0xb6: {  	_ =	strace $0x9000004B  }
0xb7: {  	_ =	sfence  }
0xb8: {  	s30 =	sld [smem:$0x0];
	_ =	sdelay $0x2  }
0xb9: {  	s31 =	sshll.u32 s1, $0xD;
	s1 =	sshrl.u32 s1, $0x2  }
0xba: {  	s3 =	sand.u32 $0x4000, s31;
	s1 =	sadd.s32 s1, s30  }
0xbb: {  	s0 =	sor.u32 s3, s0;
	s1 =	sshll.u32 s1, $0x11  }
0xbc: {  	s0 =	sor.u32 s1, s0  }
0xbd: {  	s0 =	sadd.s32 $0x8F2B, s0  }
0xbe: {  	[sflag:s0] =	ssyncadd.remote.s32 $0x1  }
0xbf: {  	_ =	sfence.sel $0xFFFF  }
0xc0: {  	[dreg:$0x0] =	wrdreg $0xFFFFFFFF;
	(pc) =	sbr.abs _section_cstart, $3  }
0xc1: {  	[dreg:$0x1] =	wrdreg $0xFFFFFFFF  }
0xc2: {  	_ =	task.clear_ibuf [dreg:s7], $0x2FFFF;
	_ =	strace $0x9FFFFFFF  }
0xc3: {  	(tm) =	ssettm $0x7FFFFFFF  }
tec
execute0_lowered:
.L_overlay_start_1:
0x0: {  	(tag) =	ssettag $0x1  }
0x1: {  	s6 =	rddreg [dreg:$0x0]  }
0x2: {  	s1 =	rddreg [dreg:$0x1]  }
0x3: {  	s2 =	rddreg [dreg:$0x2]  }
0x4: {  	s0 =	rddreg [dreg:$0x3];
	s4 =	simm.s32 $0x0;
	s3 =	srdreg.scid  }
0x5: {  	s17 =	simm.s32 $0x3;
	s18 =	simm.s32 $0x80;
	s19 =	simm.s32 $0x2800  }
0x6: {  	s20 =	simm.s32 $0x6800;
	s21 =	simm.s32 $0x1;
	s8 =	sand.u32 $0x1, s3  }
0x7: {  	s22 =	simm.s32 $0x2;
	s3 =	stileid.u32;
	s7 =	smul.u32 $0x140000, s8  }
0x8: {  	s24 =	simm.s32 $0x2780;
	s25 =	simm.s32 $0x0;
	s9 =	smul.u32 $0x14000, s3  }
0x9: {  	[smem:$0x7FF] =	sst s4;
	s5 =	sadd.s32 $0x14E00, s6;
	s12 =	smul.u32 $0x50000, s3  }
0xa: {  	s10 =	sadd.s32 $0xFE00, s6;
	s28 =	ssub.s32 $0x2, s8;
	s14 =	smul.u32 $0x2800, s3  }
0xb: {  	s11 =	sadd.s32 $0xAE00, s6;
	s23 =	smul.u32 $0x2800, s8;
	s13 =	sshrl.u32 s28, $0x1  }
0xc: {  	_ =	strace $0x8000004A;
	s7 =	sadd.s32 s9, s7;
	s13 =	ssub.s32 s28, s13  }
0xd: {  	s29 =	sshrl.u32 s12, $0x2;
	s30 =	sshrl.u32 s14, $0x3;
	v0 =	vmov s23;
	s23 =	simm.s32 $0x2700  }
0xe: {  	s7 =	sshrl.u32 s7, $0x3;
	s16 =	sadd.s32 s29, s2;
	s31 =	sadd.s32 $0x280, s30  }
0xf: {  	s8 =	sadd.s32 s10, s30;
	s9 =	sadd.s32 s11, s30;
	s13 =	smax.u32 s13, $0x1  }
0x10: {  	s15 =	sadd.s32 s7, s6;
	s6 =	sshll.u32 s3, $0x6;
	s10 =	sadd.s32 s10, s31  }
0x11: {  	s11 =	sadd.s32 s11, s31;
	s14 =	sshrl.u32 s16, $0x3;
	s16 =	simm.s32 $0x1400  }
0x12: {  	s7 =	sor.u32 $0x1C03, s6;
	s12 =	sadd.s32 $0x64E00, s15;
	s15 =	simm.s32 $0x4  }
.LBB2_1:
0x13: {  	[spmem:s14], [sflag:s7] =	dma.local [hbm:s1], $0x2800  }
0x14: {  	[tilespmem:s4], [sflag:$0x4] =	stream.linear.gather [hbm4b:s8+s4], $0x1400, $0x38;
	[tilespmem:$0x1E800] =	vst v63  }
0x15: {  	_ =	swait.ge [sflag:s15], $0x1400  }
0x16: {  	[sflag:s15] =	ssyncset.done $0x0  }
0x17: {  	[sflag:s15] =	ssyncadd.s32 $0xFFFFEC00  }
0x18: {  	[tilespmem:s16], [sflag:$0x4] =	stream.linear.gather [hbm4b:s9+s4], $0x1400, $0x38;
	[tilespmem:$0x1E800] =	vst v63  }
0x19: {  	_ =	swait.ge [sflag:s15], $0x1400  }
0x1a: {  	[sflag:s15] =	ssyncset.done $0x0  }
0x1b: {  	s26 =	simm.s32 $0x70;
	[sflag:s15] =	ssyncadd.s32 $0xFFFFEC00  }
0x1c: {  	v3 =	vld [tilespmem:s26+$0xFFFFFF90]  }
0x1d: {  	v5 =	vld [tilespmem:s26+$0xFFFFFFA0]  }
0x1e: {  	v4 =	vld [tilespmem:s26+$0xFFFFFFB0]  }
0x1f: {  	v2 =	vld [tilespmem:s26+$0xFFFFFFC0]  }
0x20: {  	v1 =	vld [tilespmem:s26+$0xFFFFFFD0]  }
0x21: {  	s28 =	simm.s32 $0x3C0;
	v6 =	vadd.s32 v0, v3;
	v3 =	vld [tilespmem:s26+$0xFFFFFFE0]  }
.LBB2_2:
0x22: {  	p0 =	sne.s32 s28, $0x4FC0;
	[tilespmem:s26+$0xFFFFFF90] =	vst v6;
	v5 =	vadd.s32 v0, v5;
	v6 =	vld [tilespmem:s26+$0x0]  }
0x23: {  	s29 =	sshra.s32 s28, $0x2;
	[tilespmem:s26+$0xFFFFFFA0] =	vst v5;
	v4 =	vadd.s32 v0, v4;
	v7 =	vld [tilespmem:s26+$0xFFFFFFF0]  }
0x24: {  	v8 =	vld [tilespmem:s29+$0xFFFFFF90];
	[tilespmem:s26+$0xFFFFFFB0] =	vst v4;
	v2 =	vadd.s32 v0, v2  }
.Ltmp0:
0x25: {  	v5 =	vld [tilespmem:s29+$0xFFFFFFA0];
	[tilespmem:s26+$0xFFFFFFC0] =	vst v2;
	v1 =	vadd.s32 v0, v1;
	(pc) =	sbr.rel @p0 .LBB2_2-.Ltmp0, $4  }
0x26: {  	v4 =	vld [tilespmem:s29+$0xFFFFFFB0];
	[tilespmem:s26+$0xFFFFFFD0] =	vst v1;
	v1 =	vadd.s32 v0, v3  }
0x27: {  	v2 =	vld [tilespmem:s29+$0xFFFFFFC0];
	[tilespmem:s26+$0xFFFFFFE0] =	vst v1;
	v3 =	vadd.s32 v0, v6  }
0x28: {  	v1 =	vld [tilespmem:s29+$0xFFFFFFD0];
	v7 =	vadd.s32 v0, v7;
	[tilespmem:s26+$0x0] =	vst v3  }
0x29: {  	s28 =	sadd.s32 $0x200, s28;
	v6 =	vadd.s32 v0, v8;
	v3 =	vld [tilespmem:s29+$0xFFFFFFE0];
	[tilespmem:s26+$0xFFFFFFF0] =	vst v7;
	s26 =	smov.u32 s29  }
0x2a: {  	[tilespmem:s26+$0xFFFFFF90] =	vst v6;
	v5 =	vadd.s32 v0, v5;
	v62 =	vld [tilespmem:s26+$0x0]  }
0x2b: {  	v63 =	vld [tilespmem:s26+$0xFFFFFFF0];
	[tilespmem:s26+$0xFFFFFFA0] =	vst v5;
	v4 =	vadd.s32 v0, v4  }
0x2c: {  	[tilespmem:s26+$0xFFFFFFB0] =	vst v4;
	v2 =	vadd.s32 v0, v2  }
0x2d: {  	[tilespmem:s26+$0xFFFFFFC0] =	vst v2;
	v1 =	vadd.s32 v0, v1  }
0x2e: {  	[tilespmem:s26+$0xFFFFFFD0] =	vst v1;
	v1 =	vadd.s32 v0, v3  }
0x2f: {  	[tilespmem:s26+$0xFFFFFFE0] =	vst v1;
	v1 =	vadd.s32 v0, v62  }
0x30: {  	v2 =	vadd.s32 v0, v63;
	[tilespmem:s26+$0x0] =	vst v1  }
0x31: {  	[tilespmem:s26+$0xFFFFFFF0] =	vst v2  }
0x32: {  	_ =	swait.ge [sflag:s17], $0x2800  }
0x33: {  	[sflag:s17] =	ssyncset.done $0x0  }
0x34: {  	[sflag:s17] =	ssyncadd.s32 $0xFFFFD800  }
0x35: {  	s31 =	simm.s32 $0x0;
	[bflag:$0x0] =	sbarrier.arrive $0xFFFF  }
0x36: {  	[tilespmem:s19], [sflag:$0x1] =	stream.indirect.gather [hbm4b:s5+s18], $0x80, s31, s18, $0xb8;
	[tilespmem:$0x1E800] =	vst v63  }
0x37: {  	_ = 	snop  }
0x38: {  	[tilespmem:s20], [sflag:$0x2] =	stream.indirect.gather [hbm4b:s5+s18], $0x80, s18, s18, $0xb8;
	[tilespmem:$0x1E800] =	vst v63  }
0x39: {  	_ =	swait.ge [sflag:s21], $0x4000  }
0x3a: {  	[sflag:s21] =	ssyncset.done $0x0  }
0x3b: {  	s29 =	simm.s32 $0x1400;
	[sflag:s21] =	ssyncadd.s32 $0xFFFFC000  }
0x3c: {  	[spmem:s2] =	stream.indirect.scatter.add.f32 [tilespmem:s19], [sflag:$0x4], $0x80, s29, s18, $0xb8;
	[tilespmem:$0x1E800] =	vst v63  }
0x3d: {  	_ =	swait.ge [sflag:s15], $0x4000  }
0x3e: {  	[sflag:s15] =	ssyncset.done $0x0  }
0x3f: {  	s30 =	simm.s32 $0x100;
	[sflag:s15] =	ssyncadd.s32 $0xFFFFC000  }
0x40: {  	[tilespmem:s19], [sflag:$0x1] =	stream.indirect.gather [hbm4b:s5+s18], $0x80, s30, s18, $0xb8;
	[tilespmem:$0x1E800] =	vst v63  }
0x41: {  	_ =	swait.ge [sflag:s22], $0x4000  }
0x42: {  	[sflag:s22] =	ssyncset.done $0x0  }
0x43: {  	s31 =	simm.s32 $0x1480;
	[sflag:s22] =	ssyncadd.s32 $0xFFFFC000  }
0x44: {  	[spmem:s2] =	stream.indirect.scatter.add.f32 [tilespmem:s20], [sflag:$0x4], $0x80, s31, s18, $0xb8;
	[tilespmem:$0x1E800] =	vst v63  }
0x45: {  	_ =	swait.ge [sflag:s15], $0x4000  }
0x46: {  	[sflag:s15] =	ssyncset.done $0x0  }
0x47: {  	s28 =	simm.s32 $0x180;
	s26 =	simm.s32 $0x400;
	[sflag:s15] =	ssyncadd.s32 $0xFFFFC000  }
.LBB2_4:
0x48: {  	[tilespmem:s20], [sflag:$0x2] =	stream.indirect.gather [hbm4b:s5+s18], $0x80, s28, s18, $0xb8;
	[tilespmem:$0x1E800] =	vst v63  }
0x49: {  	s28 =	smov.u32 s26  }
0x4a: {  	p0 =	sne.s32 s26, $0x4800;
	s26 =	sadd.s32 $0x400, s26;
	_ =	swait.ge [sflag:s21], $0x4000  }
0x4b: {  	s28 =	sshra.s32 s28, $0x2;
	[sflag:s21] =	ssyncset.done $0x0  }
0x4c: {  	s29 =	sadd.s32 $0x1400, s28;
	[sflag:s21] =	ssyncadd.s32 $0xFFFFC000  }
0x4d: {  	[spmem:s2] =	stream.indirect.scatter.add.f32 [tilespmem:s19], [sflag:$0x4], $0x80, s29, s18, $0xb8;
	[tilespmem:$0x1E800] =	vst v63  }
0x4e: {  	_ =	swait.ge [sflag:s15], $0x4000  }
0x4f: {  	[sflag:s15] =	ssyncset.done $0x0  }
0x50: {  	s29 =	sadd.s32 $0x100, s28;
	[sflag:s15] =	ssyncadd.s32 $0xFFFFC000  }
0x51: {  	[tilespmem:s19], [sflag:$0x1] =	stream.indirect.gather [hbm4b:s5+s18], $0x80, s29, s18, $0xb8;
	[tilespmem:$0x1E800] =	vst v63  }
0x52: {  	_ =	swait.ge [sflag:s22], $0x4000  }
0x53: {  	[sflag:s22] =	ssyncset.done $0x0  }
.Ltmp1:
0x54: {  	s29 =	sadd.s32 $0x1480, s28;
	[sflag:s22] =	ssyncadd.s32 $0xFFFFC000;
	(pc) =	sbr.rel @p0 .LBB2_4-.Ltmp1, $4  }
0x55: {  	[spmem:s2] =	stream.indirect.scatter.add.f32 [tilespmem:s20], [sflag:$0x4], $0x80, s29, s18, $0xb8;
	[tilespmem:$0x1E800] =	vst v63  }
0x56: {  	_ =	swait.ge [sflag:s15], $0x4000  }
0x57: {  	[sflag:s15] =	ssyncset.done $0x0  }
0x58: {  	s28 =	sadd.s32 $0x180, s28;
	[sflag:s15] =	ssyncadd.s32 $0xFFFFC000  }
0x59: {  	[tilespmem:s20], [sflag:$0x2] =	stream.indirect.gather [hbm4b:s5+s18], $0x80, s28, s18, $0xb8;
	[tilespmem:$0x1E800] =	vst v63  }
0x5a: {  	_ =	swait.ge [sflag:s21], $0x4000  }
0x5b: {  	[sflag:s21] =	ssyncset.done $0x0  }
0x5c: {  	[sflag:s21] =	ssyncadd.s32 $0xFFFFC000  }
0x5d: {  	[spmem:s2] =	stream.indirect.scatter.add.f32 [tilespmem:s19], [sflag:$0x4], $0x80, s23, s18, $0xb8;
	[tilespmem:$0x1E800] =	vst v63  }
0x5e: {  	_ =	swait.ge [sflag:s15], $0x4000  }
0x5f: {  	[sflag:s15] =	ssyncset.done $0x0  }
0x60: {  	[sflag:s15] =	ssyncadd.s32 $0xFFFFC000  }
0x61: {  	_ =	swait.ge [sflag:s22], $0x4000  }
0x62: {  	[sflag:s22] =	ssyncset.done $0x0  }
0x63: {  	[sflag:s22] =	ssyncadd.s32 $0xFFFFC000  }
0x64: {  	[spmem:s2] =	stream.indirect.scatter.add.f32 [tilespmem:s20], [sflag:$0x4], $0x80, s24, s18, $0xb8;
	[tilespmem:$0x1E800] =	vst v63  }
0x65: {  	_ =	swait.ge [sflag:s15], $0x4000  }
0x66: {  	[sflag:s15] =	ssyncset.done $0x0  }
0x67: {  	[sflag:s15] =	ssyncadd.s32 $0xFFFFC000  }
0x68: {  	[tilespmem:s4], [sflag:$0x4] =	stream.linear.gather [hbm4b:s10+s4], $0x1400, $0x38;
	[tilespmem:$0x1E800] =	vst v63  }
0x69: {  	_ =	swait.ge [sflag:s15], $0x1400  }
0x6a: {  	[sflag:s15] =	ssyncset.done $0x0  }
0x6b: {  	[sflag:s15] =	ssyncadd.s32 $0xFFFFEC00  }
0x6c: {  	[tilespmem:s16], [sflag:$0x4] =	stream.linear.gather [hbm4b:s11+s4], $0x1400, $0x38;
	[tilespmem:$0x1E800] =	vst v63  }
0x6d: {  	_ =	swait.ge [sflag:s15], $0x1400  }
0x6e: {  	[sflag:s15] =	ssyncset.done $0x0  }
0x6f: {  	s26 =	simm.s32 $0x70;
	[sflag:s15] =	ssyncadd.s32 $0xFFFFEC00  }
0x70: {  	v3 =	vld [tilespmem:s26+$0xFFFFFF90]  }
0x71: {  	v5 =	vld [tilespmem:s26+$0xFFFFFFA0]  }
0x72: {  	v4 =	vld [tilespmem:s26+$0xFFFFFFB0]  }
0x73: {  	v2 =	vld [tilespmem:s26+$0xFFFFFFC0]  }
0x74: {  	v1 =	vld [tilespmem:s26+$0xFFFFFFD0]  }
0x75: {  	s28 =	simm.s32 $0x3C0;
	v6 =	vadd.s32 v0, v3;
	v3 =	vld [tilespmem:s26+$0xFFFFFFE0]  }
.LBB2_6:
0x76: {  	p0 =	sne.s32 s28, $0x4FC0;
	[tilespmem:s26+$0xFFFFFF90] =	vst v6;
	v5 =	vadd.s32 v0, v5;
	v6 =	vld [tilespmem:s26+$0x0]  }
0x77: {  	s29 =	sshra.s32 s28, $0x2;
	[tilespmem:s26+$0xFFFFFFA0] =	vst v5;
	v4 =	vadd.s32 v0, v4;
	v7 =	vld [tilespmem:s26+$0xFFFFFFF0]  }
0x78: {  	v8 =	vld [tilespmem:s29+$0xFFFFFF90];
	[tilespmem:s26+$0xFFFFFFB0] =	vst v4;
	v2 =	vadd.s32 v0, v2  }
.Ltmp2:
0x79: {  	v5 =	vld [tilespmem:s29+$0xFFFFFFA0];
	[tilespmem:s26+$0xFFFFFFC0] =	vst v2;
	v1 =	vadd.s32 v0, v1;
	(pc) =	sbr.rel @p0 .LBB2_6-.Ltmp2, $4  }
0x7a: {  	v4 =	vld [tilespmem:s29+$0xFFFFFFB0];
	[tilespmem:s26+$0xFFFFFFD0] =	vst v1;
	v1 =	vadd.s32 v0, v3  }
0x7b: {  	v2 =	vld [tilespmem:s29+$0xFFFFFFC0];
	[tilespmem:s26+$0xFFFFFFE0] =	vst v1;
	v3 =	vadd.s32 v0, v6  }
0x7c: {  	v1 =	vld [tilespmem:s29+$0xFFFFFFD0];
	v7 =	vadd.s32 v0, v7;
	[tilespmem:s26+$0x0] =	vst v3  }
0x7d: {  	s28 =	sadd.s32 $0x200, s28;
	v6 =	vadd.s32 v0, v8;
	v3 =	vld [tilespmem:s29+$0xFFFFFFE0];
	[tilespmem:s26+$0xFFFFFFF0] =	vst v7;
	s26 =	smov.u32 s29  }
0x7e: {  	[tilespmem:s26+$0xFFFFFF90] =	vst v6;
	v5 =	vadd.s32 v0, v5;
	v62 =	vld [tilespmem:s26+$0x0]  }
0x7f: {  	v63 =	vld [tilespmem:s26+$0xFFFFFFF0];
	[tilespmem:s26+$0xFFFFFFA0] =	vst v5;
	v4 =	vadd.s32 v0, v4  }
0x80: {  	[tilespmem:s26+$0xFFFFFFB0] =	vst v4;
	v2 =	vadd.s32 v0, v2  }
0x81: {  	[tilespmem:s26+$0xFFFFFFC0] =	vst v2;
	v1 =	vadd.s32 v0, v1  }
0x82: {  	[tilespmem:s26+$0xFFFFFFD0] =	vst v1;
	v1 =	vadd.s32 v0, v3  }
0x83: {  	[tilespmem:s26+$0xFFFFFFE0] =	vst v1;
	v1 =	vadd.s32 v0, v62  }
0x84: {  	v2 =	vadd.s32 v0, v63;
	[tilespmem:s26+$0x0] =	vst v1  }
0x85: {  	s31 =	simm.s32 $0x0;
	[tilespmem:s26+$0xFFFFFFF0] =	vst v2  }
0x86: {  	[tilespmem:s19], [sflag:$0x1] =	stream.indirect.gather [hbm4b:s5+s18], $0x80, s31, s18, $0xb8;
	[tilespmem:$0x1E800] =	vst v63  }
0x87: {  	_ = 	snop  }
0x88: {  	[tilespmem:s20], [sflag:$0x2] =	stream.indirect.gather [hbm4b:s5+s18], $0x80, s18, s18, $0xb8;
	[tilespmem:$0x1E800] =	vst v63  }
0x89: {  	_ =	swait.ge [sflag:s21], $0x4000  }
0x8a: {  	[sflag:s21] =	ssyncset.done $0x0  }
0x8b: {  	s29 =	simm.s32 $0x1400;
	[sflag:s21] =	ssyncadd.s32 $0xFFFFC000  }
0x8c: {  	[spmem:s2] =	stream.indirect.scatter.add.f32 [tilespmem:s19], [sflag:$0x4], $0x80, s29, s18, $0xb8;
	[tilespmem:$0x1E800] =	vst v63  }
0x8d: {  	_ =	swait.ge [sflag:s15], $0x4000  }
0x8e: {  	[sflag:s15] =	ssyncset.done $0x0  }
0x8f: {  	s30 =	simm.s32 $0x100;
	[sflag:s15] =	ssyncadd.s32 $0xFFFFC000  }
0x90: {  	[tilespmem:s19], [sflag:$0x1] =	stream.indirect.gather [hbm4b:s5+s18], $0x80, s30, s18, $0xb8;
	[tilespmem:$0x1E800] =	vst v63  }
0x91: {  	_ =	swait.ge [sflag:s22], $0x4000  }
0x92: {  	[sflag:s22] =	ssyncset.done $0x0  }
0x93: {  	s31 =	simm.s32 $0x1480;
	[sflag:s22] =	ssyncadd.s32 $0xFFFFC000  }
0x94: {  	[spmem:s2] =	stream.indirect.scatter.add.f32 [tilespmem:s20], [sflag:$0x4], $0x80, s31, s18, $0xb8;
	[tilespmem:$0x1E800] =	vst v63  }
0x95: {  	_ =	swait.ge [sflag:s15], $0x4000  }
0x96: {  	[sflag:s15] =	ssyncset.done $0x0  }
0x97: {  	s28 =	simm.s32 $0x180;
	s26 =	simm.s32 $0x400;
	[sflag:s15] =	ssyncadd.s32 $0xFFFFC000  }
.LBB2_8:
0x98: {  	[tilespmem:s20], [sflag:$0x2] =	stream.indirect.gather [hbm4b:s5+s18], $0x80, s28, s18, $0xb8;
	[tilespmem:$0x1E800] =	vst v63  }
0x99: {  	s28 =	smov.u32 s26  }
0x9a: {  	p0 =	sne.s32 s26, $0x4800;
	s26 =	sadd.s32 $0x400, s26;
	_ =	swait.ge [sflag:s21], $0x4000  }
0x9b: {  	s28 =	sshra.s32 s28, $0x2;
	[sflag:s21] =	ssyncset.done $0x0  }
0x9c: {  	s29 =	sadd.s32 $0x1400, s28;
	[sflag:s21] =	ssyncadd.s32 $0xFFFFC000  }
0x9d: {  	[spmem:s2] =	stream.indirect.scatter.add.f32 [tilespmem:s19], [sflag:$0x4], $0x80, s29, s18, $0xb8;
	[tilespmem:$0x1E800] =	vst v63  }
0x9e: {  	_ =	swait.ge [sflag:s15], $0x4000  }
0x9f: {  	[sflag:s15] =	ssyncset.done $0x0  }
0xa0: {  	s29 =	sadd.s32 $0x100, s28;
	[sflag:s15] =	ssyncadd.s32 $0xFFFFC000  }
0xa1: {  	[tilespmem:s19], [sflag:$0x1] =	stream.indirect.gather [hbm4b:s5+s18], $0x80, s29, s18, $0xb8;
	[tilespmem:$0x1E800] =	vst v63  }
0xa2: {  	_ =	swait.ge [sflag:s22], $0x4000  }
0xa3: {  	[sflag:s22] =	ssyncset.done $0x0  }
.Ltmp3:
0xa4: {  	s29 =	sadd.s32 $0x1480, s28;
	[sflag:s22] =	ssyncadd.s32 $0xFFFFC000;
	(pc) =	sbr.rel @p0 .LBB2_8-.Ltmp3, $4  }
0xa5: {  	[spmem:s2] =	stream.indirect.scatter.add.f32 [tilespmem:s20], [sflag:$0x4], $0x80, s29, s18, $0xb8;
	[tilespmem:$0x1E800] =	vst v63  }
0xa6: {  	_ =	swait.ge [sflag:s15], $0x4000  }
0xa7: {  	[sflag:s15] =	ssyncset.done $0x0  }
0xa8: {  	s28 =	sadd.s32 $0x180, s28;
	[sflag:s15] =	ssyncadd.s32 $0xFFFFC000  }
0xa9: {  	[tilespmem:s20], [sflag:$0x2] =	stream.indirect.gather [hbm4b:s5+s18], $0x80, s28, s18, $0xb8;
	[tilespmem:$0x1E800] =	vst v63  }
0xaa: {  	_ =	swait.ge [sflag:s21], $0x4000  }
0xab: {  	[sflag:s21] =	ssyncset.done $0x0  }
0xac: {  	[sflag:s21] =	ssyncadd.s32 $0xFFFFC000  }
0xad: {  	[spmem:s2] =	stream.indirect.scatter.add.f32 [tilespmem:s19], [sflag:$0x4], $0x80, s23, s18, $0xb8;
	[tilespmem:$0x1E800] =	vst v63  }
0xae: {  	_ =	swait.ge [sflag:s15], $0x4000  }
0xaf: {  	[sflag:s15] =	ssyncset.done $0x0  }
0xb0: {  	[sflag:s15] =	ssyncadd.s32 $0xFFFFC000  }
0xb1: {  	_ =	swait.ge [sflag:s22], $0x4000  }
0xb2: {  	[sflag:s22] =	ssyncset.done $0x0  }
0xb3: {  	[sflag:s22] =	ssyncadd.s32 $0xFFFFC000  }
0xb4: {  	[spmem:s2] =	stream.indirect.scatter.add.f32 [tilespmem:s20], [sflag:$0x4], $0x80, s24, s18, $0xb8;
	[tilespmem:$0x1E800] =	vst v63  }
0xb5: {  	_ =	swait.ge [sflag:s15], $0x4000  }
0xb6: {  	s25 =	sadd.s32 $0x1, s25;
	[sflag:s15] =	ssyncset.done $0x0  }
0xb7: {  	p0 =	sne.s32 s25, s13;
	[sflag:s15] =	ssyncadd.s32 $0xFFFFC000  }
.Ltmp4:
0xb8: {  	s26 =	sor.u32 $0x1C04, s6;
	[bflag:$0x0] =	sbarrier.arrive $0xFFFF;
	(pc) =	sbr.rel @p0 .LBB2_1-.Ltmp4, $4  }
0xb9: {  	[hbm:s12], [sflag:s26] =	dma.local [spmem:s14], $0x2800  }
0xba: {  	_ =	swait.ge [sflag:s15], $0x2800  }
0xbb: {  	[sflag:s15] =	ssyncset.done $0x0  }
0xbc: {  	[sflag:s15] =	ssyncadd.s32 $0xFFFFD800  }
0xbd: {  	_ =	sfence.sel $0x180000  }
0xbe: {  	[bflag:$0x0] =	sbarrier.arrive $0xFFFF  }
0xbf: {  	p0 =	sne.s32 s3, $0x0;
	_ =	strace $0x9000004A  }
0xc0: {  	s0 =	sadd.s32 @!p0 $0x100000, s0;
	[bflag:$0x2] =	sbarrier.arrive $0xFFFF  }
0xc1: {  	[sflag:s0] =	ssyncadd.tile.s32 @!p0 $0x1;
	_ =	shalt  }
.Lfunc_end2:
_tile_overlayer_lowered:
.L_overlay_start_2:
0xc2: {  	(tag) =	ssettag $0x2  }
0xc3: {  	s0 =	rddreg [dreg:$0x0];
	s2 =	stileid.u32  }
0xc4: {  	s1 =	rddreg [dreg:$0x1];
	p0 =	sne.s32 s2, $0x0  }
0xc5: {  	s3 =	rddreg [dreg:$0x2];
	[bflag:$0x3] =	sbarrier.arrive $0xFFFF;
	s2 =	simm.s32 @!p0 $0x1C04  }
0xc6: {  	[timem:s3], [sflag:s2] =	dma.local @!p0 [hbm:s0], s1  }
0xc7: {  	s0 =	simm.s32 @!p0 $0x4  }
0xc8: {  	_ =	swait.ge @!p0 [sflag:s0], s1  }
0xc9: {  	s1 =	ssub.s32 @!p0 $0x0, s1;
	[sflag:s0] =	ssyncset.done @!p0 $0x0  }
0xca: {  	[sflag:s0] =	ssyncadd.s32 @!p0 s1  }
0xcb: {  	[bflag:$0x3] =	sbarrier.arrive $0xFFFF  }
0xcc: {  	_ =	shalt  }

</sc_bundles>
